<compile_context>
chip_gen: v7x
topology: tpu7x:2x2x1
jax: 0.10.2.dev20260603
libtpu: 0.0.44.dev20260713+nightly
codegen_flags: <defaults>
</compile_context>

<pallas_src>
import functools

import jax
import jax.numpy as jnp
from jax import lax
from jax.experimental import pallas as pl
from jax.experimental.pallas import tpu as pltpu
from jax.experimental.pallas import tpu_sc as plsc

NC = 2
NS = 16
NW = NC * NS
LANES = 16
CH = 128
RPW = 656
NPAD = NS * RPW
MBLK = 400


def _mm_body(x_ref, w_ref, sw_ref, y_ref, s_ref):
    x = x_ref[...]
    y_ref[...] = jnp.dot(x, w_ref[...], preferred_element_type=jnp.float32,
                         precision=lax.Precision.HIGHEST)
    s_ref[...] = jnp.dot(x, sw_ref[...], preferred_element_type=jnp.float32,
                         precision=lax.Precision.HIGHEST)


def _mm(h, wf, sw):
    n, d = h.shape
    rh = wf.shape[1]
    hd = sw.shape[1]
    return pl.pallas_call(
        _mm_body,
        grid=(n // MBLK,),
        in_specs=[
            pl.BlockSpec((MBLK, d), lambda i: (i, 0)),
            pl.BlockSpec((d, rh), lambda i: (0, 0)),
            pl.BlockSpec((d, hd), lambda i: (0, 0)),
        ],
        out_specs=[
            pl.BlockSpec((MBLK, rh), lambda i: (i, 0)),
            pl.BlockSpec((MBLK, hd), lambda i: (i, 0)),
        ],
        out_shape=[
            jax.ShapeDtypeStruct((n, rh), jnp.float32),
            jax.ShapeDtypeStruct((n, hd), jnp.float32),
        ],
    )(h, wf, sw)


def _combine_body(relu, a_ref, s_ref, b_ref, o_ref):
    v = a_ref[0] + a_ref[1] + s_ref[...] + b_ref[...]
    o_ref[...] = jnp.maximum(v, 0.0) if relu else v


def _combine(agg, s, b, relu):
    n, h = s.shape
    return pl.pallas_call(
        functools.partial(_combine_body, relu),
        grid=(n // MBLK,),
        in_specs=[
            pl.BlockSpec((2, MBLK, h), lambda i: (0, i, 0)),
            pl.BlockSpec((MBLK, h), lambda i: (i, 0)),
            pl.BlockSpec((1, h), lambda i: (0, 0)),
        ],
        out_specs=pl.BlockSpec((MBLK, h), lambda i: (i, 0)),
        out_shape=jax.ShapeDtypeStruct((n, h), jnp.float32),
    )(agg, s, b.reshape(1, h))


def _sc_agg_call(nchunk, hdim, rel):
    mesh = plsc.VectorSubcoreMesh(core_axis_name="c", subcore_axis_name="s")

    @functools.partial(
        pl.kernel,
        out_type=jax.ShapeDtypeStruct((NC, NPAD, hdim), jnp.float32),
        mesh=mesh,
        scratch_types=[
            pltpu.VMEM((nchunk, CH), jnp.int32),
            pltpu.VMEM((nchunk, CH), jnp.int32),
            pltpu.VMEM((CH, hdim), jnp.float32),
            pltpu.VMEM((CH, hdim), jnp.float32),
            pltpu.VMEM_SHARED((NPAD, hdim), jnp.float32),
            pltpu.SemaphoreType.DMA,
            pltpu.SemaphoreType.DMA,
        ],
    )
    def sc_kernel(src_h, typ_h, dst_h, y_h, out_h, gidx, didx, rows, rows_b,
                  agg, sem, sem_b):
        cid = lax.axis_index("c")
        sid = lax.axis_index("s")
        wid = sid * NC + cid

        @pl.loop(0, CH)
        def _(i):
            @pl.loop(0, hdim // LANES)
            def _(j):
                rows[i, pl.ds(j * LANES, LANES)] = jnp.zeros((LANES,), jnp.float32)

        row0 = sid * RPW
        nfull = RPW // CH
        rem = RPW - nfull * CH

        @pl.loop(0, nfull)
        def _(k):
            pltpu.sync_copy(rows, agg.at[pl.ds(row0 + k * CH, CH)])

        pltpu.sync_copy(rows.at[pl.ds(0, rem)],
                        agg.at[pl.ds(row0 + nfull * CH, rem)])

        pltpu.sync_copy(src_h.at[wid], gidx)
        pltpu.sync_copy(typ_h.at[wid], didx)

        @pl.loop(0, nchunk)
        def _(c):
            @pl.loop(0, CH // LANES)
            def _(j):
                s = pl.ds(j * LANES, LANES)
                gidx[c, s] = gidx[c, s] * rel + didx[c, s]

        pltpu.sync_copy(dst_h.at[wid], didx)

        pltpu.async_copy(y_h.at[gidx.at[0]], rows, sem)

        plsc.subcore_barrier()

        @pl.loop(0, nchunk, step=2)
        def _(c):
            pltpu.async_copy(y_h.at[gidx.at[c + 1]], rows_b, sem_b)
            pltpu.make_async_copy(y_h.at[gidx.at[c]], rows, sem).wait()
            pltpu.sync_copy(rows, agg.at[didx.at[c]], add=True)

            @pl.when(c + 2 < nchunk)
            def _():
                pltpu.async_copy(y_h.at[gidx.at[c + 2]], rows, sem)

            pltpu.make_async_copy(y_h.at[gidx.at[c + 1]], rows_b, sem_b).wait()
            pltpu.sync_copy(rows_b, agg.at[didx.at[c + 1]], add=True)

        plsc.subcore_barrier()

        pltpu.sync_copy(agg.at[pl.ds(row0, RPW)],
                        out_h.at[cid, pl.ds(row0, RPW)])

    return sc_kernel


def kernel(x, edge_index, edge_type, W1, self_w1, b1, W2, self_w2, b2):
    n, d = x.shape
    rel, _, hdim = W1.shape
    e = edge_type.shape[0]

    per_w = -(-e // (NW * CH)) * CH
    nchunk = per_w // CH
    epad = NW * per_w - e
    src = jnp.concatenate([edge_index[0], jnp.zeros((epad,), jnp.int32)])
    typ = jnp.concatenate([edge_type, jnp.zeros((epad,), jnp.int32)])
    dst = jnp.concatenate([edge_index[1],
                           jnp.full((epad,), NPAD - 1, jnp.int32)])
    src = src.reshape(NW, nchunk, CH)
    typ = typ.reshape(NW, nchunk, CH)
    dst = dst.reshape(NW, nchunk, CH)

    sc_agg = _sc_agg_call(nchunk, hdim, rel)

    w1f = W1.transpose(1, 0, 2).reshape(d, rel * hdim)
    w2f = W2.transpose(1, 0, 2).reshape(hdim, rel * W2.shape[2])

    y1, s1 = _mm(x, w1f, self_w1)
    a1 = sc_agg(src, typ, dst, y1.reshape(n * rel, hdim))
    h1 = _combine(a1, s1, b1, relu=True)

    y2, s2 = _mm(h1, w2f, self_w2)
    a2 = sc_agg(src, typ, dst, y2.reshape(n * rel, W2.shape[2]))
    return _combine(a2, s2, b2, relu=False)

# --- scband reference (transcript-rebuilt; emitter-appended) ---
"""Pipeline reference for scband-rgcn-3229815407101 (READ-ONLY COPY).

The authoritative reference and input builder live on the scoring server;
editing this copy changes nothing except your own understanding.
"""

import jax, jax.numpy as jnp
import numpy as np

N = 10000   # nodes
E = 160000  # edges
R = 8       # relations
D = 128     # in_channels
H = 128     # hidden_channels
O = 128     # out_channels


def _xavier(key, shape):
    fan_in, fan_out = shape[-2], shape[-1]
    limit = np.sqrt(6.0 / (fan_in + fan_out))
    return jax.random.uniform(key, shape, dtype=jnp.float32, minval=-limit, maxval=limit)


def setup_inputs(seed: int = 0) -> dict:
    key = jax.random.key(seed)
    ks = jax.random.split(key, 10)
    x = jax.random.normal(ks[0], (N, D), dtype=jnp.float32)
    edge_index = jax.random.randint(ks[1], (2, E), 0, N, dtype=jnp.int32)
    edge_type = jax.random.randint(ks[2], (E,), 0, R, dtype=jnp.int32)
    # Layer 1 params
    W1 = _xavier(ks[3], (R, D, H))
    self_w1 = _xavier(ks[4], (D, H))
    b1 = jnp.zeros((H,), dtype=jnp.float32)
    # Layer 2 params
    W2 = _xavier(ks[5], (R, H, O))
    self_w2 = _xavier(ks[6], (H, O))
    b2 = jnp.zeros((O,), dtype=jnp.float32)
    return {"x": x, "edge_index": edge_index, "edge_type": edge_type,
            "W1": W1, "self_w1": self_w1, "b1": b1,
            "W2": W2, "self_w2": self_w2, "b2": b2}


def _rgcn_layer(h, edge_index, edge_type, W, self_w, b):
    # message: bmm(x_j.unsqueeze(1), weight[edge_type]).squeeze(1)
    # Mathematically identical relation-grouped form (avoids materializing [E, in, out]):
    # msg_e = x_j_e @ W[edge_type_e] = sum_r 1[edge_type_e == r] * (x_j_e @ W[r])
    src = edge_index[0]
    dst = edge_index[1]
    h_j = h[src]                                  # gather source node feats [E, in]
    out_dim = W.shape[2]
    msgs = jnp.zeros((h_j.shape[0], out_dim), dtype=h.dtype)
    for r in range(R):
        msgs = msgs + jnp.where((edge_type == r)[:, None], h_j @ W[r], 0.0)
    # aggr='add' at destination nodes
    agg = jax.ops.segment_sum(msgs, dst, num_segments=N)
    # self loop + bias
    return agg + h @ self_w + b


def reference(x, edge_index, edge_type, W1, self_w1, b1, W2, self_w2, b2):
    h = _rgcn_layer(x, edge_index, edge_type, W1, self_w1, b1)
    h = jax.nn.relu(h)  # dropout p=0.0 is identity
    h = _rgcn_layer(h, edge_index, edge_type, W2, self_w2, b2)
    return h

if __name__ == "__main__":
    import jax
    _d = setup_inputs()
    print(jax.jit(kernel)(*tuple(_d.values())))

</pallas_src>

<mosaic_0001>
#map = affine_map<(d0, d1) -> (0, 0, 0)>
#map1 = affine_map<(d0, d1) -> (0, 0)>
module attributes {stable_mosaic.version = 14 : i64} {
  func.func @sc_kernel(%arg0: i32, %arg1: i32, %arg2: memref<32x40x128xi32, #tpu.memory_space<hbm>>, %arg3: memref<32x40x128xi32, #tpu.memory_space<hbm>>, %arg4: memref<32x40x128xi32, #tpu.memory_space<hbm>>, %arg5: memref<80000x128xf32, #tpu.memory_space<hbm>>, %arg6: memref<2x10496x128xf32, #tpu.memory_space<hbm>>, %arg7: memref<40x128xi32, #tpu.memory_space<vmem>>, %arg8: memref<40x128xi32, #tpu.memory_space<vmem>>, %arg9: memref<128x128xf32, #tpu.memory_space<vmem>>, %arg10: memref<128x128xf32, #tpu.memory_space<vmem>>, %arg11: memref<10496x128xf32, #tpu.memory_space<vmem_shared>>, %arg12: memref<!tpu.dma_semaphore, #tpu.memory_space<semaphore_mem>>, %arg13: memref<!tpu.dma_semaphore, #tpu.memory_space<semaphore_mem>>) attributes {dimension_semantics = [#tpu.dimension_semantics<core_parallel>, #tpu.dimension_semantics<subcore_parallel>], iteration_bounds = array<i64: 2, 16>, scalar_prefetch = 0 : i64, scratch_operands = 7 : i64, tpu.core_type = #tpu.core_type<sc_vector_subcore>, window_params = [{transform_indices = #map}, {transform_indices = #map}, {transform_indices = #map}, {transform_indices = #map1}, {transform_indices = #map}]} {
    %mul3A = arith.constant 2 : i32
    %mul3A_0 = arith.muli %arg1, %mul3A : i32
    %add3A = arith.addi %mul3A_0, %arg0 : i32
    %scan3A = arith.constant 0 : i32
    %scan3A_1 = arith.constant 128 : i32
    %scan3A_2 = arith.addi %scan3A, %scan3A_1 : i32
    %scan3A_3 = arith.constant 1 : i32
    scf.for %scan3A_31 = %scan3A to %scan3A_2 step %scan3A_3  : i32 {
      %mul3A_32 = arith.constant 1 : i32
      %mul3A_33 = arith.muli %scan3A_31, %mul3A_32 : i32
      %add3A_34 = arith.constant 0 : i32
      %add3A_35 = arith.addi %add3A_34, %mul3A_33 : i32
      %scan3A_36 = arith.constant 0 : i32
      %scan3A_37 = arith.constant 8 : i32
      %scan3A_38 = arith.addi %scan3A_36, %scan3A_37 : i32
      %scan3A_39 = arith.constant 1 : i32
      scf.for %scan3A_41 = %scan3A_36 to %scan3A_38 step %scan3A_39  : i32 {
        %mul3A_42 = arith.constant 1 : i32
        %mul3A_43 = arith.muli %scan3A_41, %mul3A_42 : i32
        %add3A_44 = arith.constant 0 : i32
        %add3A_45 = arith.addi %add3A_44, %mul3A_43 : i32
        %broadcast_in_dim3A = arith.constant 0.000000e+00 : f32
        %broadcast_in_dim3A_46 = vector.broadcast %broadcast_in_dim3A : f32 to vector<16xf32>
        %mul3A_47 = arith.constant 16 : i32
        %mul3A_48 = arith.muli %add3A_45, %mul3A_47 : i32
        %swap3A = arith.index_cast %add3A_35 : i32 to index
        %swap3A_49 = arith.index_cast %mul3A_48 : i32 to index
        %swap3A_50 = tpu.vector_load %arg9[%swap3A, %swap3A_49] {strides = array<i32>} : memref<128x128xf32, #tpu.memory_space<vmem>>, vector<1x16xf32>,
        %swap3A_51 = vector.shape_cast %swap3A_50 : vector<1x16xf32> to vector<16xf32>
        %swap3A_52 = vector.shape_cast %broadcast_in_dim3A_46 : vector<16xf32> to vector<1x16xf32>
        tpu.vector_store %arg9[%swap3A, %swap3A_49], %swap3A_52 {strides = array<i32>} : memref<128x128xf32, #tpu.memory_space<vmem>>, vector<1x16xf32>,
      }
      %scan3A_40 = arith.constant 8 : i32
    }
    %scan3A_4 = arith.constant 128 : i32
    %mul3A_5 = arith.constant 656 : i32
    %mul3A_6 = arith.muli %arg1, %mul3A_5 : i32
    %scan3A_7 = arith.constant 0 : i32
    %scan3A_8 = arith.constant 5 : i32
    %scan3A_9 = arith.addi %scan3A_7, %scan3A_8 : i32
    %scan3A_10 = arith.constant 1 : i32
    scf.for %scan3A_31 = %scan3A_7 to %scan3A_9 step %scan3A_10  : i32 {
      %mul3A_32 = arith.constant 1 : i32
      %mul3A_33 = arith.muli %scan3A_31, %mul3A_32 : i32
      %add3A_34 = arith.constant 0 : i32
      %add3A_35 = arith.addi %add3A_34, %mul3A_33 : i32
      %mul3A_36 = arith.constant 128 : i32
      %mul3A_37 = arith.muli %add3A_35, %mul3A_36 : i32
      %add3A_38 = arith.addi %mul3A_6, %mul3A_37 : i32
      "tpu.region"() ({
        %run_scoped3A = tpu.sem_alloc : memref<!tpu.dma_semaphore, #tpu.memory_space<semaphore_mem>>
        %dma_start3A_39 = arith.constant 0 : i32
        %dma_start3A_40 = tpu.memref_slice %arg11[%add3A_38, %dma_start3A_39] : memref<10496x128xf32, #tpu.memory_space<vmem_shared>> -> memref<128x128xf32, #tpu.memory_space<vmem_shared>>
        %dma_start3A_41 = arith.constant 0 : i32
        %dma_start3A_42 = tpu.memref_slice %arg11[%add3A_38, %dma_start3A_41] : memref<10496x128xf32, #tpu.memory_space<vmem_shared>> -> memref<128x128xf32, #tpu.memory_space<vmem_shared>>
        tpu.enqueue_dma source(%arg9 : memref<128x128xf32, #tpu.memory_space<vmem>>) target(%dma_start3A_42 : memref<128x128xf32, #tpu.memory_space<vmem_shared>>) target_semaphore(%run_scoped3A : memref<!tpu.dma_semaphore, #tpu.memory_space<semaphore_mem>>)
        %dma_wait3A = arith.constant 0 : i32
        %dma_wait3A_43 = tpu.memref_slice %arg11[%add3A_38, %dma_wait3A] : memref<10496x128xf32, #tpu.memory_space<vmem_shared>> -> memref<128x128xf32, #tpu.memory_space<vmem_shared>>
        %dma_wait3A_44 = arith.constant 0 : i32
        %dma_wait3A_45 = tpu.memref_slice %arg11[%add3A_38, %dma_wait3A_44] : memref<10496x128xf32, #tpu.memory_space<vmem_shared>> -> memref<128x128xf32, #tpu.memory_space<vmem_shared>>
        tpu.wait_dma2 semaphore(%run_scoped3A : memref<!tpu.dma_semaphore, #tpu.memory_space<semaphore_mem>>) src(%arg9 : memref<128x128xf32, #tpu.memory_space<vmem>>) dst(%dma_wait3A_45 : memref<128x128xf32, #tpu.memory_space<vmem_shared>>)
        tpu.yield
      }) : () -> ()
    }
    %scan3A_11 = arith.constant 5 : i32
    %add3A_12 = arith.constant 640 : i32
    %add3A_13 = arith.addi %mul3A_6, %add3A_12 : i32
    "tpu.region"() ({
      %run_scoped3A = tpu.sem_alloc : memref<!tpu.dma_semaphore, #tpu.memory_space<semaphore_mem>>
      %dma_start3A_31 = arith.constant 0 : i32
      %dma_start3A_32 = arith.constant 0 : i32
      %dma_start3A_33 = tpu.memref_slice %arg9[%dma_start3A_31, %dma_start3A_32] : memref<128x128xf32, #tpu.memory_space<vmem>> -> memref<16x128xf32, #tpu.memory_space<vmem>>
      %dma_start3A_34 = arith.constant 0 : i32
      %dma_start3A_35 = tpu.memref_slice %arg11[%add3A_13, %dma_start3A_34] : memref<10496x128xf32, #tpu.memory_space<vmem_shared>> -> memref<16x128xf32, #tpu.memory_space<vmem_shared>>
      %dma_start3A_36 = arith.constant 0 : i32
      %dma_start3A_37 = tpu.memref_slice %arg11[%add3A_13, %dma_start3A_36] : memref<10496x128xf32, #tpu.memory_space<vmem_shared>> -> memref<16x128xf32, #tpu.memory_space<vmem_shared>>
      %dma_start3A_38 = arith.constant 0 : i32
      %dma_start3A_39 = arith.constant 0 : i32
      %dma_start3A_40 = tpu.memref_slice %arg9[%dma_start3A_38, %dma_start3A_39] : memref<128x128xf32, #tpu.memory_space<vmem>> -> memref<16x128xf32, #tpu.memory_space<vmem>>
      tpu.enqueue_dma source(%dma_start3A_40 : memref<16x128xf32, #tpu.memory_space<vmem>>) target(%dma_start3A_37 : memref<16x128xf32, #tpu.memory_space<vmem_shared>>) target_semaphore(%run_scoped3A : memref<!tpu.dma_semaphore, #tpu.memory_space<semaphore_mem>>)
      %dma_wait3A = arith.constant 0 : i32
      %dma_wait3A_41 = arith.constant 0 : i32
      %dma_wait3A_42 = tpu.memref_slice %arg9[%dma_wait3A, %dma_wait3A_41] : memref<128x128xf32, #tpu.memory_space<vmem>> -> memref<16x128xf32, #tpu.memory_space<vmem>>
      %dma_wait3A_43 = arith.constant 0 : i32
      %dma_wait3A_44 = tpu.memref_slice %arg11[%add3A_13, %dma_wait3A_43] : memref<10496x128xf32, #tpu.memory_space<vmem_shared>> -> memref<16x128xf32, #tpu.memory_space<vmem_shared>>
      %dma_wait3A_45 = arith.constant 0 : i32
      %dma_wait3A_46 = tpu.memref_slice %arg11[%add3A_13, %dma_wait3A_45] : memref<10496x128xf32, #tpu.memory_space<vmem_shared>> -> memref<16x128xf32, #tpu.memory_space<vmem_shared>>
      %dma_wait3A_47 = arith.constant 0 : i32
      %dma_wait3A_48 = arith.constant 0 : i32
      %dma_wait3A_49 = tpu.memref_slice %arg9[%dma_wait3A_47, %dma_wait3A_48] : memref<128x128xf32, #tpu.memory_space<vmem>> -> memref<16x128xf32, #tpu.memory_space<vmem>>
      tpu.wait_dma2 semaphore(%run_scoped3A : memref<!tpu.dma_semaphore, #tpu.memory_space<semaphore_mem>>) src(%dma_wait3A_49 : memref<16x128xf32, #tpu.memory_space<vmem>>) dst(%dma_wait3A_46 : memref<16x128xf32, #tpu.memory_space<vmem_shared>>)
      tpu.yield
    }) : () -> ()
    "tpu.region"() ({
      %run_scoped3A = tpu.sem_alloc : memref<!tpu.dma_semaphore, #tpu.memory_space<semaphore_mem>>
      %dma_start3A_31 = arith.constant 0 : i32
      %dma_start3A_32 = arith.constant 0 : i32
      %dma_start3A_33 = tpu.memref_slice %arg2[%add3A, %dma_start3A_31, %dma_start3A_32] : memref<32x40x128xi32, #tpu.memory_space<hbm>> -> memref<1x40x128xi32, #tpu.memory_space<hbm>>
      %dma_start3A_34 = tpu.memref_squeeze %dma_start3A_33 : memref<1x40x128xi32, #tpu.memory_space<hbm>> -> memref<40x128xi32, #tpu.memory_space<hbm>>
      %dma_start3A_35 = arith.constant 0 : i32
      %dma_start3A_36 = arith.constant 0 : i32
      %dma_start3A_37 = tpu.memref_slice %arg2[%add3A, %dma_start3A_35, %dma_start3A_36] : memref<32x40x128xi32, #tpu.memory_space<hbm>> -> memref<1x40x128xi32, #tpu.memory_space<hbm>>
      %dma_start3A_38 = tpu.memref_squeeze %dma_start3A_37 : memref<1x40x128xi32, #tpu.memory_space<hbm>> -> memref<40x128xi32, #tpu.memory_space<hbm>>
      tpu.enqueue_dma source(%dma_start3A_38 : memref<40x128xi32, #tpu.memory_space<hbm>>) target(%arg7 : memref<40x128xi32, #tpu.memory_space<vmem>>) target_semaphore(%run_scoped3A : memref<!tpu.dma_semaphore, #tpu.memory_space<semaphore_mem>>)
      %dma_wait3A = arith.constant 0 : i32
      %dma_wait3A_39 = arith.constant 0 : i32
      %dma_wait3A_40 = tpu.memref_slice %arg2[%add3A, %dma_wait3A, %dma_wait3A_39] : memref<32x40x128xi32, #tpu.memory_space<hbm>> -> memref<1x40x128xi32, #tpu.memory_space<hbm>>
      %dma_wait3A_41 = tpu.memref_squeeze %dma_wait3A_40 : memref<1x40x128xi32, #tpu.memory_space<hbm>> -> memref<40x128xi32, #tpu.memory_space<hbm>>
      %dma_wait3A_42 = arith.constant 0 : i32
      %dma_wait3A_43 = arith.constant 0 : i32
      %dma_wait3A_44 = tpu.memref_slice %arg2[%add3A, %dma_wait3A_42, %dma_wait3A_43] : memref<32x40x128xi32, #tpu.memory_space<hbm>> -> memref<1x40x128xi32, #tpu.memory_space<hbm>>
      %dma_wait3A_45 = tpu.memref_squeeze %dma_wait3A_44 : memref<1x40x128xi32, #tpu.memory_space<hbm>> -> memref<40x128xi32, #tpu.memory_space<hbm>>
      tpu.wait_dma2 semaphore(%run_scoped3A : memref<!tpu.dma_semaphore, #tpu.memory_space<semaphore_mem>>) src(%dma_wait3A_45 : memref<40x128xi32, #tpu.memory_space<hbm>>) dst(%arg7 : memref<40x128xi32, #tpu.memory_space<vmem>>)
      tpu.yield
    }) : () -> ()
    "tpu.region"() ({
      %run_scoped3A = tpu.sem_alloc : memref<!tpu.dma_semaphore, #tpu.memory_space<semaphore_mem>>
      %dma_start3A_31 = arith.constant 0 : i32
      %dma_start3A_32 = arith.constant 0 : i32
      %dma_start3A_33 = tpu.memref_slice %arg3[%add3A, %dma_start3A_31, %dma_start3A_32] : memref<32x40x128xi32, #tpu.memory_space<hbm>> -> memref<1x40x128xi32, #tpu.memory_space<hbm>>
      %dma_start3A_34 = tpu.memref_squeeze %dma_start3A_33 : memref<1x40x128xi32, #tpu.memory_space<hbm>> -> memref<40x128xi32, #tpu.memory_space<hbm>>
      %dma_start3A_35 = arith.constant 0 : i32
      %dma_start3A_36 = arith.constant 0 : i32
      %dma_start3A_37 = tpu.memref_slice %arg3[%add3A, %dma_start3A_35, %dma_start3A_36] : memref<32x40x128xi32, #tpu.memory_space<hbm>> -> memref<1x40x128xi32, #tpu.memory_space<hbm>>
      %dma_start3A_38 = tpu.memref_squeeze %dma_start3A_37 : memref<1x40x128xi32, #tpu.memory_space<hbm>> -> memref<40x128xi32, #tpu.memory_space<hbm>>
      tpu.enqueue_dma source(%dma_start3A_38 : memref<40x128xi32, #tpu.memory_space<hbm>>) target(%arg8 : memref<40x128xi32, #tpu.memory_space<vmem>>) target_semaphore(%run_scoped3A : memref<!tpu.dma_semaphore, #tpu.memory_space<semaphore_mem>>)
      %dma_wait3A = arith.constant 0 : i32
      %dma_wait3A_39 = arith.constant 0 : i32
      %dma_wait3A_40 = tpu.memref_slice %arg3[%add3A, %dma_wait3A, %dma_wait3A_39] : memref<32x40x128xi32, #tpu.memory_space<hbm>> -> memref<1x40x128xi32, #tpu.memory_space<hbm>>
      %dma_wait3A_41 = tpu.memref_squeeze %dma_wait3A_40 : memref<1x40x128xi32, #tpu.memory_space<hbm>> -> memref<40x128xi32, #tpu.memory_space<hbm>>
      %dma_wait3A_42 = arith.constant 0 : i32
      %dma_wait3A_43 = arith.constant 0 : i32
      %dma_wait3A_44 = tpu.memref_slice %arg3[%add3A, %dma_wait3A_42, %dma_wait3A_43] : memref<32x40x128xi32, #tpu.memory_space<hbm>> -> memref<1x40x128xi32, #tpu.memory_space<hbm>>
      %dma_wait3A_45 = tpu.memref_squeeze %dma_wait3A_44 : memref<1x40x128xi32, #tpu.memory_space<hbm>> -> memref<40x128xi32, #tpu.memory_space<hbm>>
      tpu.wait_dma2 semaphore(%run_scoped3A : memref<!tpu.dma_semaphore, #tpu.memory_space<semaphore_mem>>) src(%dma_wait3A_45 : memref<40x128xi32, #tpu.memory_space<hbm>>) dst(%arg8 : memref<40x128xi32, #tpu.memory_space<vmem>>)
      tpu.yield
    }) : () -> ()
    %scan3A_14 = arith.constant 0 : i32
    %scan3A_15 = arith.constant 40 : i32
    %scan3A_16 = arith.addi %scan3A_14, %scan3A_15 : i32
    %scan3A_17 = arith.constant 1 : i32
    scf.for %scan3A_31 = %scan3A_14 to %scan3A_16 step %scan3A_17  : i32 {
      %mul3A_32 = arith.constant 1 : i32
      %mul3A_33 = arith.muli %scan3A_31, %mul3A_32 : i32
      %add3A_34 = arith.constant 0 : i32
      %add3A_35 = arith.addi %add3A_34, %mul3A_33 : i32
      %scan3A_36 = arith.constant 0 : i32
      %scan3A_37 = arith.constant 8 : i32
      %scan3A_38 = arith.addi %scan3A_36, %scan3A_37 : i32
      %scan3A_39 = arith.constant 1 : i32
      scf.for %scan3A_41 = %scan3A_36 to %scan3A_38 step %scan3A_39  : i32 {
        %mul3A_42 = arith.constant 1 : i32
        %mul3A_43 = arith.muli %scan3A_41, %mul3A_42 : i32
        %add3A_44 = arith.constant 0 : i32
        %add3A_45 = arith.addi %add3A_44, %mul3A_43 : i32
        %mul3A_46 = arith.constant 16 : i32
        %mul3A_47 = arith.muli %add3A_45, %mul3A_46 : i32
        %get3A = arith.index_cast %add3A_35 : i32 to index
        %get3A_48 = arith.index_cast %mul3A_47 : i32 to index
        %get3A_49 = tpu.vector_load %arg7[%get3A, %get3A_48] {strides = array<i32>} : memref<40x128xi32, #tpu.memory_space<vmem>>, vector<1x16xi32>,
        %get3A_50 = vector.shape_cast %get3A_49 : vector<1x16xi32> to vector<16xi32>
        %mul3A_51 = arith.constant 8 : i32
        %mul3A_52 = vector.broadcast %mul3A_51 : i32 to vector<16xi32>
        %mul3A_53 = arith.muli %get3A_50, %mul3A_52 : vector<16xi32>
        %get3A_54 = arith.index_cast %add3A_35 : i32 to index
        %get3A_55 = arith.index_cast %mul3A_47 : i32 to index
        %get3A_56 = tpu.vector_load %arg8[%get3A_54, %get3A_55] {strides = array<i32>} : memref<40x128xi32, #tpu.memory_space<vmem>>, vector<1x16xi32>,
        %get3A_57 = vector.shape_cast %get3A_56 : vector<1x16xi32> to vector<16xi32>
        %add3A_58 = arith.addi %mul3A_53, %get3A_57 : vector<16xi32>
        %swap3A = arith.index_cast %add3A_35 : i32 to index
        %swap3A_59 = arith.index_cast %mul3A_47 : i32 to index
        %swap3A_60 = tpu.vector_load %arg7[%swap3A, %swap3A_59] {strides = array<i32>} : memref<40x128xi32, #tpu.memory_space<vmem>>, vector<1x16xi32>,
        %swap3A_61 = vector.shape_cast %swap3A_60 : vector<1x16xi32> to vector<16xi32>
        %swap3A_62 = vector.shape_cast %add3A_58 : vector<16xi32> to vector<1x16xi32>
        tpu.vector_store %arg7[%swap3A, %swap3A_59], %swap3A_62 {strides = array<i32>} : memref<40x128xi32, #tpu.memory_space<vmem>>, vector<1x16xi32>,
      }
      %scan3A_40 = arith.constant 8 : i32
    }
    %scan3A_18 = arith.constant 40 : i32
    "tpu.region"() ({
      %run_scoped3A = tpu.sem_alloc : memref<!tpu.dma_semaphore, #tpu.memory_space<semaphore_mem>>
      %dma_start3A_31 = arith.constant 0 : i32
      %dma_start3A_32 = arith.constant 0 : i32
      %dma_start3A_33 = tpu.memref_slice %arg4[%add3A, %dma_start3A_31, %dma_start3A_32] : memref<32x40x128xi32, #tpu.memory_space<hbm>> -> memref<1x40x128xi32, #tpu.memory_space<hbm>>
      %dma_start3A_34 = tpu.memref_squeeze %dma_start3A_33 : memref<1x40x128xi32, #tpu.memory_space<hbm>> -> memref<40x128xi32, #tpu.memory_space<hbm>>
      %dma_start3A_35 = arith.constant 0 : i32
      %dma_start3A_36 = arith.constant 0 : i32
      %dma_start3A_37 = tpu.memref_slice %arg4[%add3A, %dma_start3A_35, %dma_start3A_36] : memref<32x40x128xi32, #tpu.memory_space<hbm>> -> memref<1x40x128xi32, #tpu.memory_space<hbm>>
      %dma_start3A_38 = tpu.memref_squeeze %dma_start3A_37 : memref<1x40x128xi32, #tpu.memory_space<hbm>> -> memref<40x128xi32, #tpu.memory_space<hbm>>
      tpu.enqueue_dma source(%dma_start3A_38 : memref<40x128xi32, #tpu.memory_space<hbm>>) target(%arg8 : memref<40x128xi32, #tpu.memory_space<vmem>>) target_semaphore(%run_scoped3A : memref<!tpu.dma_semaphore, #tpu.memory_space<semaphore_mem>>)
      %dma_wait3A = arith.constant 0 : i32
      %dma_wait3A_39 = arith.constant 0 : i32
      %dma_wait3A_40 = tpu.memref_slice %arg4[%add3A, %dma_wait3A, %dma_wait3A_39] : memref<32x40x128xi32, #tpu.memory_space<hbm>> -> memref<1x40x128xi32, #tpu.memory_space<hbm>>
      %dma_wait3A_41 = tpu.memref_squeeze %dma_wait3A_40 : memref<1x40x128xi32, #tpu.memory_space<hbm>> -> memref<40x128xi32, #tpu.memory_space<hbm>>
      %dma_wait3A_42 = arith.constant 0 : i32
      %dma_wait3A_43 = arith.constant 0 : i32
      %dma_wait3A_44 = tpu.memref_slice %arg4[%add3A, %dma_wait3A_42, %dma_wait3A_43] : memref<32x40x128xi32, #tpu.memory_space<hbm>> -> memref<1x40x128xi32, #tpu.memory_space<hbm>>
      %dma_wait3A_45 = tpu.memref_squeeze %dma_wait3A_44 : memref<1x40x128xi32, #tpu.memory_space<hbm>> -> memref<40x128xi32, #tpu.memory_space<hbm>>
      tpu.wait_dma2 semaphore(%run_scoped3A : memref<!tpu.dma_semaphore, #tpu.memory_space<semaphore_mem>>) src(%dma_wait3A_45 : memref<40x128xi32, #tpu.memory_space<hbm>>) dst(%arg8 : memref<40x128xi32, #tpu.memory_space<vmem>>)
      tpu.yield
    }) : () -> ()
    %dma_start3A = arith.constant 0 : i32
    %dma_start3A_19 = arith.constant 0 : i32
    %dma_start3A_20 = tpu.memref_slice %arg7[%dma_start3A, %dma_start3A_19] : memref<40x128xi32, #tpu.memory_space<vmem>> -> memref<1x128xi32, #tpu.memory_space<vmem>>
    %dma_start3A_21 = tpu.memref_squeeze %dma_start3A_20 : memref<1x128xi32, #tpu.memory_space<vmem>> -> memref<128xi32, #tpu.memory_space<vmem>>
    %dma_start3A_22 = arith.constant 0 : i32
    %dma_start3A_23 = arith.constant 0 : i32
    %dma_start3A_24 = tpu.memref_slice %arg5[%dma_start3A_22, %dma_start3A_23] : memref<80000x128xf32, #tpu.memory_space<hbm>> -> memref<80000x128xf32, #tpu.memory_space<hbm>>
    tpu.enqueue_indirect_dma source(%dma_start3A_24 : memref<80000x128xf32, #tpu.memory_space<hbm>>) target(%arg9 : memref<128x128xf32, #tpu.memory_space<vmem>>) offsets(%dma_start3A_21 : memref<128xi32, #tpu.memory_space<vmem>>) semaphore(%arg12 : memref<!tpu.dma_semaphore, #tpu.memory_space<semaphore_mem>>)
    %barrier3A = arith.constant 0 : index
    tpu.barrier barrier_id(%barrier3A)
    %scan3A_25 = arith.constant 0 : i32
    %scan3A_26 = arith.constant 20 : i32
    %scan3A_27 = arith.addi %scan3A_25, %scan3A_26 : i32
    %scan3A_28 = arith.constant 1 : i32
    scf.for %scan3A_31 = %scan3A_25 to %scan3A_27 step %scan3A_28  : i32 {
      %mul3A_32 = arith.constant 2 : i32
      %mul3A_33 = arith.muli %scan3A_31, %mul3A_32 : i32
      %add3A_34 = arith.constant 0 : i32
      %add3A_35 = arith.addi %add3A_34, %mul3A_33 : i32
      %add3A_36 = arith.constant 1 : i32
      %add3A_37 = arith.addi %add3A_35, %add3A_36 : i32
      %dma_start3A_38 = arith.constant 0 : i32
      %dma_start3A_39 = tpu.memref_slice %arg7[%add3A_37, %dma_start3A_38] : memref<40x128xi32, #tpu.memory_space<vmem>> -> memref<1x128xi32, #tpu.memory_space<vmem>>
      %dma_start3A_40 = tpu.memref_squeeze %dma_start3A_39 : memref<1x128xi32, #tpu.memory_space<vmem>> -> memref<128xi32, #tpu.memory_space<vmem>>
      %dma_start3A_41 = arith.constant 0 : i32
      %dma_start3A_42 = arith.constant 0 : i32
      %dma_start3A_43 = tpu.memref_slice %arg5[%dma_start3A_41, %dma_start3A_42] : memref<80000x128xf32, #tpu.memory_space<hbm>> -> memref<80000x128xf32, #tpu.memory_space<hbm>>
      tpu.enqueue_indirect_dma source(%dma_start3A_43 : memref<80000x128xf32, #tpu.memory_space<hbm>>) target(%arg10 : memref<128x128xf32, #tpu.memory_space<vmem>>) offsets(%dma_start3A_40 : memref<128xi32, #tpu.memory_space<vmem>>) semaphore(%arg13 : memref<!tpu.dma_semaphore, #tpu.memory_space<semaphore_mem>>)
      %dma_wait3A = arith.constant 0 : i32
      %dma_wait3A_44 = tpu.memref_slice %arg7[%add3A_35, %dma_wait3A] : memref<40x128xi32, #tpu.memory_space<vmem>> -> memref<1x128xi32, #tpu.memory_space<vmem>>
      %dma_wait3A_45 = tpu.memref_squeeze %dma_wait3A_44 : memref<1x128xi32, #tpu.memory_space<vmem>> -> memref<128xi32, #tpu.memory_space<vmem>>
      %dma_wait3A_46 = arith.constant 0 : i32
      %dma_wait3A_47 = arith.constant 0 : i32
      %dma_wait3A_48 = tpu.memref_slice %arg5[%dma_wait3A_46, %dma_wait3A_47] : memref<80000x128xf32, #tpu.memory_space<hbm>> -> memref<80000x128xf32, #tpu.memory_space<hbm>>
      tpu.wait_indirect_dma semaphore(%arg12 : memref<!tpu.dma_semaphore, #tpu.memory_space<semaphore_mem>>) src(%dma_wait3A_48 : memref<80000x128xf32, #tpu.memory_space<hbm>>) dst(%arg9 : memref<128x128xf32, #tpu.memory_space<vmem>>)
      "tpu.region"() ({
        %run_scoped3A = tpu.sem_alloc : memref<!tpu.dma_semaphore, #tpu.memory_space<semaphore_mem>>
        %dma_start3A_63 = arith.constant 0 : i32
        %dma_start3A_64 = tpu.memref_slice %arg8[%add3A_35, %dma_start3A_63] : memref<40x128xi32, #tpu.memory_space<vmem>> -> memref<1x128xi32, #tpu.memory_space<vmem>>
        %dma_start3A_65 = tpu.memref_squeeze %dma_start3A_64 : memref<1x128xi32, #tpu.memory_space<vmem>> -> memref<128xi32, #tpu.memory_space<vmem>>
        %dma_start3A_66 = arith.constant 0 : i32
        %dma_start3A_67 = arith.constant 0 : i32
        %dma_start3A_68 = tpu.memref_slice %arg11[%dma_start3A_66, %dma_start3A_67] : memref<10496x128xf32, #tpu.memory_space<vmem_shared>> -> memref<10496x128xf32, #tpu.memory_space<vmem_shared>>
        tpu.enqueue_indirect_dma source(%arg9 : memref<128x128xf32, #tpu.memory_space<vmem>>) target(%dma_start3A_68 : memref<10496x128xf32, #tpu.memory_space<vmem_shared>>) offsets(%dma_start3A_65 : memref<128xi32, #tpu.memory_space<vmem>>) semaphore(%run_scoped3A : memref<!tpu.dma_semaphore, #tpu.memory_space<semaphore_mem>>) {add = true}
        %dma_wait3A_69 = arith.constant 0 : i32
        %dma_wait3A_70 = tpu.memref_slice %arg8[%add3A_35, %dma_wait3A_69] : memref<40x128xi32, #tpu.memory_space<vmem>> -> memref<1x128xi32, #tpu.memory_space<vmem>>
        %dma_wait3A_71 = tpu.memref_squeeze %dma_wait3A_70 : memref<1x128xi32, #tpu.memory_space<vmem>> -> memref<128xi32, #tpu.memory_space<vmem>>
        %dma_wait3A_72 = arith.constant 0 : i32
        %dma_wait3A_73 = arith.constant 0 : i32
        %dma_wait3A_74 = tpu.memref_slice %arg11[%dma_wait3A_72, %dma_wait3A_73] : memref<10496x128xf32, #tpu.memory_space<vmem_shared>> -> memref<10496x128xf32, #tpu.memory_space<vmem_shared>>
        tpu.wait_indirect_dma semaphore(%run_scoped3A : memref<!tpu.dma_semaphore, #tpu.memory_space<semaphore_mem>>) src(%arg9 : memref<128x128xf32, #tpu.memory_space<vmem>>) dst(%dma_wait3A_74 : memref<10496x128xf32, #tpu.memory_space<vmem_shared>>)
        tpu.yield
      }) : () -> ()
      %add3A_49 = arith.constant 2 : i32
      %add3A_50 = arith.addi %add3A_35, %add3A_49 : i32
      %lt3A = arith.constant 40 : i32
      %lt3A_51 = arith.cmpi slt, %add3A_50, %lt3A : i32
      %convert_element_type3A = arith.extui %lt3A_51 : i1 to i32
      %cond3A = arith.constant 0 : i32
      %cond3A_52 = arith.cmpi ne, %convert_element_type3A, %cond3A : i32
      scf.if %cond3A_52 {
        %add3A_63 = arith.constant 2 : i32
        %add3A_64 = arith.addi %add3A_35, %add3A_63 : i32
        %dma_start3A_65 = arith.constant 0 : i32
        %dma_start3A_66 = tpu.memref_slice %arg7[%add3A_64, %dma_start3A_65] : memref<40x128xi32, #tpu.memory_space<vmem>> -> memref<1x128xi32, #tpu.memory_space<vmem>>
        %dma_start3A_67 = tpu.memref_squeeze %dma_start3A_66 : memref<1x128xi32, #tpu.memory_space<vmem>> -> memref<128xi32, #tpu.memory_space<vmem>>
        %dma_start3A_68 = arith.constant 0 : i32
        %dma_start3A_69 = arith.constant 0 : i32
        %dma_start3A_70 = tpu.memref_slice %arg5[%dma_start3A_68, %dma_start3A_69] : memref<80000x128xf32, #tpu.memory_space<hbm>> -> memref<80000x128xf32, #tpu.memory_space<hbm>>
        tpu.enqueue_indirect_dma source(%dma_start3A_70 : memref<80000x128xf32, #tpu.memory_space<hbm>>) target(%arg9 : memref<128x128xf32, #tpu.memory_space<vmem>>) offsets(%dma_start3A_67 : memref<128xi32, #tpu.memory_space<vmem>>) semaphore(%arg12 : memref<!tpu.dma_semaphore, #tpu.memory_space<semaphore_mem>>)
      } else {
      }
      %add3A_53 = arith.constant 1 : i32
      %add3A_54 = arith.addi %add3A_35, %add3A_53 : i32
      %dma_wait3A_55 = arith.constant 0 : i32
      %dma_wait3A_56 = tpu.memref_slice %arg7[%add3A_54, %dma_wait3A_55] : memref<40x128xi32, #tpu.memory_space<vmem>> -> memref<1x128xi32, #tpu.memory_space<vmem>>
      %dma_wait3A_57 = tpu.memref_squeeze %dma_wait3A_56 : memref<1x128xi32, #tpu.memory_space<vmem>> -> memref<128xi32, #tpu.memory_space<vmem>>
      %dma_wait3A_58 = arith.constant 0 : i32
      %dma_wait3A_59 = arith.constant 0 : i32
      %dma_wait3A_60 = tpu.memref_slice %arg5[%dma_wait3A_58, %dma_wait3A_59] : memref<80000x128xf32, #tpu.memory_space<hbm>> -> memref<80000x128xf32, #tpu.memory_space<hbm>>
      tpu.wait_indirect_dma semaphore(%arg13 : memref<!tpu.dma_semaphore, #tpu.memory_space<semaphore_mem>>) src(%dma_wait3A_60 : memref<80000x128xf32, #tpu.memory_space<hbm>>) dst(%arg10 : memref<128x128xf32, #tpu.memory_space<vmem>>)
      %add3A_61 = arith.constant 1 : i32
      %add3A_62 = arith.addi %add3A_35, %add3A_61 : i32
      "tpu.region"() ({
        %run_scoped3A = tpu.sem_alloc : memref<!tpu.dma_semaphore, #tpu.memory_space<semaphore_mem>>
        %dma_start3A_63 = arith.constant 0 : i32
        %dma_start3A_64 = tpu.memref_slice %arg8[%add3A_62, %dma_start3A_63] : memref<40x128xi32, #tpu.memory_space<vmem>> -> memref<1x128xi32, #tpu.memory_space<vmem>>
        %dma_start3A_65 = tpu.memref_squeeze %dma_start3A_64 : memref<1x128xi32, #tpu.memory_space<vmem>> -> memref<128xi32, #tpu.memory_space<vmem>>
        %dma_start3A_66 = arith.constant 0 : i32
        %dma_start3A_67 = arith.constant 0 : i32
        %dma_start3A_68 = tpu.memref_slice %arg11[%dma_start3A_66, %dma_start3A_67] : memref<10496x128xf32, #tpu.memory_space<vmem_shared>> -> memref<10496x128xf32, #tpu.memory_space<vmem_shared>>
        tpu.enqueue_indirect_dma source(%arg10 : memref<128x128xf32, #tpu.memory_space<vmem>>) target(%dma_start3A_68 : memref<10496x128xf32, #tpu.memory_space<vmem_shared>>) offsets(%dma_start3A_65 : memref<128xi32, #tpu.memory_space<vmem>>) semaphore(%run_scoped3A : memref<!tpu.dma_semaphore, #tpu.memory_space<semaphore_mem>>) {add = true}
        %dma_wait3A_69 = arith.constant 0 : i32
        %dma_wait3A_70 = tpu.memref_slice %arg8[%add3A_62, %dma_wait3A_69] : memref<40x128xi32, #tpu.memory_space<vmem>> -> memref<1x128xi32, #tpu.memory_space<vmem>>
        %dma_wait3A_71 = tpu.memref_squeeze %dma_wait3A_70 : memref<1x128xi32, #tpu.memory_space<vmem>> -> memref<128xi32, #tpu.memory_space<vmem>>
        %dma_wait3A_72 = arith.constant 0 : i32
        %dma_wait3A_73 = arith.constant 0 : i32
        %dma_wait3A_74 = tpu.memref_slice %arg11[%dma_wait3A_72, %dma_wait3A_73] : memref<10496x128xf32, #tpu.memory_space<vmem_shared>> -> memref<10496x128xf32, #tpu.memory_space<vmem_shared>>
        tpu.wait_indirect_dma semaphore(%run_scoped3A : memref<!tpu.dma_semaphore, #tpu.memory_space<semaphore_mem>>) src(%arg10 : memref<128x128xf32, #tpu.memory_space<vmem>>) dst(%dma_wait3A_74 : memref<10496x128xf32, #tpu.memory_space<vmem_shared>>)
        tpu.yield
      }) : () -> ()
    }
    %scan3A_29 = arith.constant 20 : i32
    %barrier3A_30 = arith.constant 0 : index
    tpu.barrier barrier_id(%barrier3A_30)
    "tpu.region"() ({
      %run_scoped3A = tpu.sem_alloc : memref<!tpu.dma_semaphore, #tpu.memory_space<semaphore_mem>>
      %dma_start3A_31 = arith.constant 0 : i32
      %dma_start3A_32 = tpu.memref_slice %arg6[%arg0, %mul3A_6, %dma_start3A_31] : memref<2x10496x128xf32, #tpu.memory_space<hbm>> -> memref<1x656x128xf32, #tpu.memory_space<hbm>>
      %dma_start3A_33 = tpu.memref_squeeze %dma_start3A_32 : memref<1x656x128xf32, #tpu.memory_space<hbm>> -> memref<656x128xf32, #tpu.memory_space<hbm>>
      %dma_start3A_34 = arith.constant 0 : i32
      %dma_start3A_35 = tpu.memref_slice %arg11[%mul3A_6, %dma_start3A_34] : memref<10496x128xf32, #tpu.memory_space<vmem_shared>> -> memref<656x128xf32, #tpu.memory_space<vmem_shared>>
      tpu.enqueue_dma source(%dma_start3A_35 : memref<656x128xf32, #tpu.memory_space<vmem_shared>>) target(%dma_start3A_33 : memref<656x128xf32, #tpu.memory_space<hbm>>) target_semaphore(%run_scoped3A : memref<!tpu.dma_semaphore, #tpu.memory_space<semaphore_mem>>)
      %dma_wait3A = arith.constant 0 : i32
      %dma_wait3A_36 = tpu.memref_slice %arg6[%arg0, %mul3A_6, %dma_wait3A] : memref<2x10496x128xf32, #tpu.memory_space<hbm>> -> memref<1x656x128xf32, #tpu.memory_space<hbm>>
      %dma_wait3A_37 = tpu.memref_squeeze %dma_wait3A_36 : memref<1x656x128xf32, #tpu.memory_space<hbm>> -> memref<656x128xf32, #tpu.memory_space<hbm>>
      %dma_wait3A_38 = arith.constant 0 : i32
      %dma_wait3A_39 = tpu.memref_slice %arg11[%mul3A_6, %dma_wait3A_38] : memref<10496x128xf32, #tpu.memory_space<vmem_shared>> -> memref<656x128xf32, #tpu.memory_space<vmem_shared>>
      tpu.wait_dma2 semaphore(%run_scoped3A : memref<!tpu.dma_semaphore, #tpu.memory_space<semaphore_mem>>) src(%dma_wait3A_39 : memref<656x128xf32, #tpu.memory_space<vmem_shared>>) dst(%dma_wait3A_37 : memref<656x128xf32, #tpu.memory_space<hbm>>)
      tpu.yield
    }) : () -> ()
    return
  }
}

#map = affine_map<(d0, d1) -> (0, 0, 0)>
#map1 = affine_map<(d0, d1) -> (0, 0)>
module attributes {stable_mosaic.version = 14 : i64} {
  func.func @sc_kernel(%arg0: i32, %arg1: i32, %arg2: memref<32x40x128xi32, #tpu.memory_space<hbm>>, %arg3: memref<32x40x128xi32, #tpu.memory_space<hbm>>, %arg4: memref<32x40x128xi32, #tpu.memory_space<hbm>>, %arg5: memref<80000x128xf32, #tpu.memory_space<hbm>>, %arg6: memref<2x10496x128xf32, #tpu.memory_space<hbm>>, %arg7: memref<40x128xi32, #tpu.memory_space<vmem>>, %arg8: memref<40x128xi32, #tpu.memory_space<vmem>>, %arg9: memref<128x128xf32, #tpu.memory_space<vmem>>, %arg10: memref<128x128xf32, #tpu.memory_space<vmem>>, %arg11: memref<10496x128xf32, #tpu.memory_space<vmem_shared>>, %arg12: memref<!tpu.dma_semaphore, #tpu.memory_space<semaphore_mem>>, %arg13: memref<!tpu.dma_semaphore, #tpu.memory_space<semaphore_mem>>) attributes {dimension_semantics = [#tpu.dimension_semantics<core_parallel>, #tpu.dimension_semantics<subcore_parallel>], iteration_bounds = array<i64: 2, 16>, scalar_prefetch = 0 : i64, scratch_operands = 7 : i64, tpu.core_type = #tpu.core_type<sc_vector_subcore>, window_params = [{transform_indices = #map}, {transform_indices = #map}, {transform_indices = #map}, {transform_indices = #map1}, {transform_indices = #map}]} {
    %mul3A = arith.constant 2 : i32
    %mul3A_0 = arith.muli %arg1, %mul3A : i32
    %add3A = arith.addi %mul3A_0, %arg0 : i32
    %scan3A = arith.constant 0 : i32
    %scan3A_1 = arith.constant 128 : i32
    %scan3A_2 = arith.addi %scan3A, %scan3A_1 : i32
    %scan3A_3 = arith.constant 1 : i32
    scf.for %scan3A_31 = %scan3A to %scan3A_2 step %scan3A_3  : i32 {
      %mul3A_32 = arith.constant 1 : i32
      %mul3A_33 = arith.muli %scan3A_31, %mul3A_32 : i32
      %add3A_34 = arith.constant 0 : i32
      %add3A_35 = arith.addi %add3A_34, %mul3A_33 : i32
      %scan3A_36 = arith.constant 0 : i32
      %scan3A_37 = arith.constant 8 : i32
      %scan3A_38 = arith.addi %scan3A_36, %scan3A_37 : i32
      %scan3A_39 = arith.constant 1 : i32
      scf.for %scan3A_41 = %scan3A_36 to %scan3A_38 step %scan3A_39  : i32 {
        %mul3A_42 = arith.constant 1 : i32
        %mul3A_43 = arith.muli %scan3A_41, %mul3A_42 : i32
        %add3A_44 = arith.constant 0 : i32
        %add3A_45 = arith.addi %add3A_44, %mul3A_43 : i32
        %broadcast_in_dim3A = arith.constant 0.000000e+00 : f32
        %broadcast_in_dim3A_46 = vector.broadcast %broadcast_in_dim3A : f32 to vector<16xf32>
        %mul3A_47 = arith.constant 16 : i32
        %mul3A_48 = arith.muli %add3A_45, %mul3A_47 : i32
        %swap3A = arith.index_cast %add3A_35 : i32 to index
        %swap3A_49 = arith.index_cast %mul3A_48 : i32 to index
        %swap3A_50 = tpu.vector_load %arg9[%swap3A, %swap3A_49] {strides = array<i32>} : memref<128x128xf32, #tpu.memory_space<vmem>>, vector<1x16xf32>,
        %swap3A_51 = vector.shape_cast %swap3A_50 : vector<1x16xf32> to vector<16xf32>
        %swap3A_52 = vector.shape_cast %broadcast_in_dim3A_46 : vector<16xf32> to vector<1x16xf32>
        tpu.vector_store %arg9[%swap3A, %swap3A_49], %swap3A_52 {strides = array<i32>} : memref<128x128xf32, #tpu.memory_space<vmem>>, vector<1x16xf32>,
      }
      %scan3A_40 = arith.constant 8 : i32
    }
    %scan3A_4 = arith.constant 128 : i32
    %mul3A_5 = arith.constant 656 : i32
    %mul3A_6 = arith.muli %arg1, %mul3A_5 : i32
    %scan3A_7 = arith.constant 0 : i32
    %scan3A_8 = arith.constant 5 : i32
    %scan3A_9 = arith.addi %scan3A_7, %scan3A_8 : i32
    %scan3A_10 = arith.constant 1 : i32
    scf.for %scan3A_31 = %scan3A_7 to %scan3A_9 step %scan3A_10  : i32 {
      %mul3A_32 = arith.constant 1 : i32
      %mul3A_33 = arith.muli %scan3A_31, %mul3A_32 : i32
      %add3A_34 = arith.constant 0 : i32
      %add3A_35 = arith.addi %add3A_34, %mul3A_33 : i32
      %mul3A_36 = arith.constant 128 : i32
      %mul3A_37 = arith.muli %add3A_35, %mul3A_36 : i32
      %add3A_38 = arith.addi %mul3A_6, %mul3A_37 : i32
      "tpu.region"() ({
        %run_scoped3A = tpu.sem_alloc : memref<!tpu.dma_semaphore, #tpu.memory_space<semaphore_mem>>
        %dma_start3A_39 = arith.constant 0 : i32
        %dma_start3A_40 = tpu.memref_slice %arg11[%add3A_38, %dma_start3A_39] : memref<10496x128xf32, #tpu.memory_space<vmem_shared>> -> memref<128x128xf32, #tpu.memory_space<vmem_shared>>
        %dma_start3A_41 = arith.constant 0 : i32
        %dma_start3A_42 = tpu.memref_slice %arg11[%add3A_38, %dma_start3A_41] : memref<10496x128xf32, #tpu.memory_space<vmem_shared>> -> memref<128x128xf32, #tpu.memory_space<vmem_shared>>
        tpu.enqueue_dma source(%arg9 : memref<128x128xf32, #tpu.memory_space<vmem>>) target(%dma_start3A_42 : memref<128x128xf32, #tpu.memory_space<vmem_shared>>) target_semaphore(%run_scoped3A : memref<!tpu.dma_semaphore, #tpu.memory_space<semaphore_mem>>)
        %dma_wait3A = arith.constant 0 : i32
        %dma_wait3A_43 = tpu.memref_slice %arg11[%add3A_38, %dma_wait3A] : memref<10496x128xf32, #tpu.memory_space<vmem_shared>> -> memref<128x128xf32, #tpu.memory_space<vmem_shared>>
        %dma_wait3A_44 = arith.constant 0 : i32
        %dma_wait3A_45 = tpu.memref_slice %arg11[%add3A_38, %dma_wait3A_44] : memref<10496x128xf32, #tpu.memory_space<vmem_shared>> -> memref<128x128xf32, #tpu.memory_space<vmem_shared>>
        tpu.wait_dma2 semaphore(%run_scoped3A : memref<!tpu.dma_semaphore, #tpu.memory_space<semaphore_mem>>) src(%arg9 : memref<128x128xf32, #tpu.memory_space<vmem>>) dst(%dma_wait3A_45 : memref<128x128xf32, #tpu.memory_space<vmem_shared>>)
        tpu.yield
      }) : () -> ()
    }
    %scan3A_11 = arith.constant 5 : i32
    %add3A_12 = arith.constant 640 : i32
    %add3A_13 = arith.addi %mul3A_6, %add3A_12 : i32
    "tpu.region"() ({
      %run_scoped3A = tpu.sem_alloc : memref<!tpu.dma_semaphore, #tpu.memory_space<semaphore_mem>>
      %dma_start3A_31 = arith.constant 0 : i32
      %dma_start3A_32 = arith.constant 0 : i32
      %dma_start3A_33 = tpu.memref_slice %arg9[%dma_start3A_31, %dma_start3A_32] : memref<128x128xf32, #tpu.memory_space<vmem>> -> memref<16x128xf32, #tpu.memory_space<vmem>>
      %dma_start3A_34 = arith.constant 0 : i32
      %dma_start3A_35 = tpu.memref_slice %arg11[%add3A_13, %dma_start3A_34] : memref<10496x128xf32, #tpu.memory_space<vmem_shared>> -> memref<16x128xf32, #tpu.memory_space<vmem_shared>>
      %dma_start3A_36 = arith.constant 0 : i32
      %dma_start3A_37 = tpu.memref_slice %arg11[%add3A_13, %dma_start3A_36] : memref<10496x128xf32, #tpu.memory_space<vmem_shared>> -> memref<16x128xf32, #tpu.memory_space<vmem_shared>>
      %dma_start3A_38 = arith.constant 0 : i32
      %dma_start3A_39 = arith.constant 0 : i32
      %dma_start3A_40 = tpu.memref_slice %arg9[%dma_start3A_38, %dma_start3A_39] : memref<128x128xf32, #tpu.memory_space<vmem>> -> memref<16x128xf32, #tpu.memory_space<vmem>>
      tpu.enqueue_dma source(%dma_start3A_40 : memref<16x128xf32, #tpu.memory_space<vmem>>) target(%dma_start3A_37 : memref<16x128xf32, #tpu.memory_space<vmem_shared>>) target_semaphore(%run_scoped3A : memref<!tpu.dma_semaphore, #tpu.memory_space<semaphore_mem>>)
      %dma_wait3A = arith.constant 0 : i32
      %dma_wait3A_41 = arith.constant 0 : i32
      %dma_wait3A_42 = tpu.memref_slice %arg9[%dma_wait3A, %dma_wait3A_41] : memref<128x128xf32, #tpu.memory_space<vmem>> -> memref<16x128xf32, #tpu.memory_space<vmem>>
      %dma_wait3A_43 = arith.constant 0 : i32
      %dma_wait3A_44 = tpu.memref_slice %arg11[%add3A_13, %dma_wait3A_43] : memref<10496x128xf32, #tpu.memory_space<vmem_shared>> -> memref<16x128xf32, #tpu.memory_space<vmem_shared>>
      %dma_wait3A_45 = arith.constant 0 : i32
      %dma_wait3A_46 = tpu.memref_slice %arg11[%add3A_13, %dma_wait3A_45] : memref<10496x128xf32, #tpu.memory_space<vmem_shared>> -> memref<16x128xf32, #tpu.memory_space<vmem_shared>>
      %dma_wait3A_47 = arith.constant 0 : i32
      %dma_wait3A_48 = arith.constant 0 : i32
      %dma_wait3A_49 = tpu.memref_slice %arg9[%dma_wait3A_47, %dma_wait3A_48] : memref<128x128xf32, #tpu.memory_space<vmem>> -> memref<16x128xf32, #tpu.memory_space<vmem>>
      tpu.wait_dma2 semaphore(%run_scoped3A : memref<!tpu.dma_semaphore, #tpu.memory_space<semaphore_mem>>) src(%dma_wait3A_49 : memref<16x128xf32, #tpu.memory_space<vmem>>) dst(%dma_wait3A_46 : memref<16x128xf32, #tpu.memory_space<vmem_shared>>)
      tpu.yield
    }) : () -> ()
    "tpu.region"() ({
      %run_scoped3A = tpu.sem_alloc : memref<!tpu.dma_semaphore, #tpu.memory_space<semaphore_mem>>
      %dma_start3A_31 = arith.constant 0 : i32
      %dma_start3A_32 = arith.constant 0 : i32
      %dma_start3A_33 = tpu.memref_slice %arg2[%add3A, %dma_start3A_31, %dma_start3A_32] : memref<32x40x128xi32, #tpu.memory_space<hbm>> -> memref<1x40x128xi32, #tpu.memory_space<hbm>>
      %dma_start3A_34 = tpu.memref_squeeze %dma_start3A_33 : memref<1x40x128xi32, #tpu.memory_space<hbm>> -> memref<40x128xi32, #tpu.memory_space<hbm>>
      %dma_start3A_35 = arith.constant 0 : i32
      %dma_start3A_36 = arith.constant 0 : i32
      %dma_start3A_37 = tpu.memref_slice %arg2[%add3A, %dma_start3A_35, %dma_start3A_36] : memref<32x40x128xi32, #tpu.memory_space<hbm>> -> memref<1x40x128xi32, #tpu.memory_space<hbm>>
      %dma_start3A_38 = tpu.memref_squeeze %dma_start3A_37 : memref<1x40x128xi32, #tpu.memory_space<hbm>> -> memref<40x128xi32, #tpu.memory_space<hbm>>
      tpu.enqueue_dma source(%dma_start3A_38 : memref<40x128xi32, #tpu.memory_space<hbm>>) target(%arg7 : memref<40x128xi32, #tpu.memory_space<vmem>>) target_semaphore(%run_scoped3A : memref<!tpu.dma_semaphore, #tpu.memory_space<semaphore_mem>>)
      %dma_wait3A = arith.constant 0 : i32
      %dma_wait3A_39 = arith.constant 0 : i32
      %dma_wait3A_40 = tpu.memref_slice %arg2[%add3A, %dma_wait3A, %dma_wait3A_39] : memref<32x40x128xi32, #tpu.memory_space<hbm>> -> memref<1x40x128xi32, #tpu.memory_space<hbm>>
      %dma_wait3A_41 = tpu.memref_squeeze %dma_wait3A_40 : memref<1x40x128xi32, #tpu.memory_space<hbm>> -> memref<40x128xi32, #tpu.memory_space<hbm>>
      %dma_wait3A_42 = arith.constant 0 : i32
      %dma_wait3A_43 = arith.constant 0 : i32
      %dma_wait3A_44 = tpu.memref_slice %arg2[%add3A, %dma_wait3A_42, %dma_wait3A_43] : memref<32x40x128xi32, #tpu.memory_space<hbm>> -> memref<1x40x128xi32, #tpu.memory_space<hbm>>
      %dma_wait3A_45 = tpu.memref_squeeze %dma_wait3A_44 : memref<1x40x128xi32, #tpu.memory_space<hbm>> -> memref<40x128xi32, #tpu.memory_space<hbm>>
      tpu.wait_dma2 semaphore(%run_scoped3A : memref<!tpu.dma_semaphore, #tpu.memory_space<semaphore_mem>>) src(%dma_wait3A_45 : memref<40x128xi32, #tpu.memory_space<hbm>>) dst(%arg7 : memref<40x128xi32, #tpu.memory_space<vmem>>)
      tpu.yield
    }) : () -> ()
    "tpu.region"() ({
      %run_scoped3A = tpu.sem_alloc : memref<!tpu.dma_semaphore, #tpu.memory_space<semaphore_mem>>
      %dma_start3A_31 = arith.constant 0 : i32
      %dma_start3A_32 = arith.constant 0 : i32
      %dma_start3A_33 = tpu.memref_slice %arg3[%add3A, %dma_start3A_31, %dma_start3A_32] : memref<32x40x128xi32, #tpu.memory_space<hbm>> -> memref<1x40x128xi32, #tpu.memory_space<hbm>>
      %dma_start3A_34 = tpu.memref_squeeze %dma_start3A_33 : memref<1x40x128xi32, #tpu.memory_space<hbm>> -> memref<40x128xi32, #tpu.memory_space<hbm>>
      %dma_start3A_35 = arith.constant 0 : i32
      %dma_start3A_36 = arith.constant 0 : i32
      %dma_start3A_37 = tpu.memref_slice %arg3[%add3A, %dma_start3A_35, %dma_start3A_36] : memref<32x40x128xi32, #tpu.memory_space<hbm>> -> memref<1x40x128xi32, #tpu.memory_space<hbm>>
      %dma_start3A_38 = tpu.memref_squeeze %dma_start3A_37 : memref<1x40x128xi32, #tpu.memory_space<hbm>> -> memref<40x128xi32, #tpu.memory_space<hbm>>
      tpu.enqueue_dma source(%dma_start3A_38 : memref<40x128xi32, #tpu.memory_space<hbm>>) target(%arg8 : memref<40x128xi32, #tpu.memory_space<vmem>>) target_semaphore(%run_scoped3A : memref<!tpu.dma_semaphore, #tpu.memory_space<semaphore_mem>>)
      %dma_wait3A = arith.constant 0 : i32
      %dma_wait3A_39 = arith.constant 0 : i32
      %dma_wait3A_40 = tpu.memref_slice %arg3[%add3A, %dma_wait3A, %dma_wait3A_39] : memref<32x40x128xi32, #tpu.memory_space<hbm>> -> memref<1x40x128xi32, #tpu.memory_space<hbm>>
      %dma_wait3A_41 = tpu.memref_squeeze %dma_wait3A_40 : memref<1x40x128xi32, #tpu.memory_space<hbm>> -> memref<40x128xi32, #tpu.memory_space<hbm>>
      %dma_wait3A_42 = arith.constant 0 : i32
      %dma_wait3A_43 = arith.constant 0 : i32
      %dma_wait3A_44 = tpu.memref_slice %arg3[%add3A, %dma_wait3A_42, %dma_wait3A_43] : memref<32x40x128xi32, #tpu.memory_space<hbm>> -> memref<1x40x128xi32, #tpu.memory_space<hbm>>
      %dma_wait3A_45 = tpu.memref_squeeze %dma_wait3A_44 : memref<1x40x128xi32, #tpu.memory_space<hbm>> -> memref<40x128xi32, #tpu.memory_space<hbm>>
      tpu.wait_dma2 semaphore(%run_scoped3A : memref<!tpu.dma_semaphore, #tpu.memory_space<semaphore_mem>>) src(%dma_wait3A_45 : memref<40x128xi32, #tpu.memory_space<hbm>>) dst(%arg8 : memref<40x128xi32, #tpu.memory_space<vmem>>)
      tpu.yield
    }) : () -> ()
    %scan3A_14 = arith.constant 0 : i32
    %scan3A_15 = arith.constant 40 : i32
    %scan3A_16 = arith.addi %scan3A_14, %scan3A_15 : i32
    %scan3A_17 = arith.constant 1 : i32
    scf.for %scan3A_31 = %scan3A_14 to %scan3A_16 step %scan3A_17  : i32 {
      %mul3A_32 = arith.constant 1 : i32
      %mul3A_33 = arith.muli %scan3A_31, %mul3A_32 : i32
      %add3A_34 = arith.constant 0 : i32
      %add3A_35 = arith.addi %add3A_34, %mul3A_33 : i32
      %scan3A_36 = arith.constant 0 : i32
      %scan3A_37 = arith.constant 8 : i32
      %scan3A_38 = arith.addi %scan3A_36, %scan3A_37 : i32
      %scan3A_39 = arith.constant 1 : i32
      scf.for %scan3A_41 = %scan3A_36 to %scan3A_38 step %scan3A_39  : i32 {
        %mul3A_42 = arith.constant 1 : i32
        %mul3A_43 = arith.muli %scan3A_41, %mul3A_42 : i32
        %add3A_44 = arith.constant 0 : i32
        %add3A_45 = arith.addi %add3A_44, %mul3A_43 : i32
        %mul3A_46 = arith.constant 16 : i32
        %mul3A_47 = arith.muli %add3A_45, %mul3A_46 : i32
        %get3A = arith.index_cast %add3A_35 : i32 to index
        %get3A_48 = arith.index_cast %mul3A_47 : i32 to index
        %get3A_49 = tpu.vector_load %arg7[%get3A, %get3A_48] {strides = array<i32>} : memref<40x128xi32, #tpu.memory_space<vmem>>, vector<1x16xi32>,
        %get3A_50 = vector.shape_cast %get3A_49 : vector<1x16xi32> to vector<16xi32>
        %mul3A_51 = arith.constant 8 : i32
        %mul3A_52 = vector.broadcast %mul3A_51 : i32 to vector<16xi32>
        %mul3A_53 = arith.muli %get3A_50, %mul3A_52 : vector<16xi32>
        %get3A_54 = arith.index_cast %add3A_35 : i32 to index
        %get3A_55 = arith.index_cast %mul3A_47 : i32 to index
        %get3A_56 = tpu.vector_load %arg8[%get3A_54, %get3A_55] {strides = array<i32>} : memref<40x128xi32, #tpu.memory_space<vmem>>, vector<1x16xi32>,
        %get3A_57 = vector.shape_cast %get3A_56 : vector<1x16xi32> to vector<16xi32>
        %add3A_58 = arith.addi %mul3A_53, %get3A_57 : vector<16xi32>
        %swap3A = arith.index_cast %add3A_35 : i32 to index
        %swap3A_59 = arith.index_cast %mul3A_47 : i32 to index
        %swap3A_60 = tpu.vector_load %arg7[%swap3A, %swap3A_59] {strides = array<i32>} : memref<40x128xi32, #tpu.memory_space<vmem>>, vector<1x16xi32>,
        %swap3A_61 = vector.shape_cast %swap3A_60 : vector<1x16xi32> to vector<16xi32>
        %swap3A_62 = vector.shape_cast %add3A_58 : vector<16xi32> to vector<1x16xi32>
        tpu.vector_store %arg7[%swap3A, %swap3A_59], %swap3A_62 {strides = array<i32>} : memref<40x128xi32, #tpu.memory_space<vmem>>, vector<1x16xi32>,
      }
      %scan3A_40 = arith.constant 8 : i32
    }
    %scan3A_18 = arith.constant 40 : i32
    "tpu.region"() ({
      %run_scoped3A = tpu.sem_alloc : memref<!tpu.dma_semaphore, #tpu.memory_space<semaphore_mem>>
      %dma_start3A_31 = arith.constant 0 : i32
      %dma_start3A_32 = arith.constant 0 : i32
      %dma_start3A_33 = tpu.memref_slice %arg4[%add3A, %dma_start3A_31, %dma_start3A_32] : memref<32x40x128xi32, #tpu.memory_space<hbm>> -> memref<1x40x128xi32, #tpu.memory_space<hbm>>
      %dma_start3A_34 = tpu.memref_squeeze %dma_start3A_33 : memref<1x40x128xi32, #tpu.memory_space<hbm>> -> memref<40x128xi32, #tpu.memory_space<hbm>>
      %dma_start3A_35 = arith.constant 0 : i32
      %dma_start3A_36 = arith.constant 0 : i32
      %dma_start3A_37 = tpu.memref_slice %arg4[%add3A, %dma_start3A_35, %dma_start3A_36] : memref<32x40x128xi32, #tpu.memory_space<hbm>> -> memref<1x40x128xi32, #tpu.memory_space<hbm>>
      %dma_start3A_38 = tpu.memref_squeeze %dma_start3A_37 : memref<1x40x128xi32, #tpu.memory_space<hbm>> -> memref<40x128xi32, #tpu.memory_space<hbm>>
      tpu.enqueue_dma source(%dma_start3A_38 : memref<40x128xi32, #tpu.memory_space<hbm>>) target(%arg8 : memref<40x128xi32, #tpu.memory_space<vmem>>) target_semaphore(%run_scoped3A : memref<!tpu.dma_semaphore, #tpu.memory_space<semaphore_mem>>)
      %dma_wait3A = arith.constant 0 : i32
      %dma_wait3A_39 = arith.constant 0 : i32
      %dma_wait3A_40 = tpu.memref_slice %arg4[%add3A, %dma_wait3A, %dma_wait3A_39] : memref<32x40x128xi32, #tpu.memory_space<hbm>> -> memref<1x40x128xi32, #tpu.memory_space<hbm>>
      %dma_wait3A_41 = tpu.memref_squeeze %dma_wait3A_40 : memref<1x40x128xi32, #tpu.memory_space<hbm>> -> memref<40x128xi32, #tpu.memory_space<hbm>>
      %dma_wait3A_42 = arith.constant 0 : i32
      %dma_wait3A_43 = arith.constant 0 : i32
      %dma_wait3A_44 = tpu.memref_slice %arg4[%add3A, %dma_wait3A_42, %dma_wait3A_43] : memref<32x40x128xi32, #tpu.memory_space<hbm>> -> memref<1x40x128xi32, #tpu.memory_space<hbm>>
      %dma_wait3A_45 = tpu.memref_squeeze %dma_wait3A_44 : memref<1x40x128xi32, #tpu.memory_space<hbm>> -> memref<40x128xi32, #tpu.memory_space<hbm>>
      tpu.wait_dma2 semaphore(%run_scoped3A : memref<!tpu.dma_semaphore, #tpu.memory_space<semaphore_mem>>) src(%dma_wait3A_45 : memref<40x128xi32, #tpu.memory_space<hbm>>) dst(%arg8 : memref<40x128xi32, #tpu.memory_space<vmem>>)
      tpu.yield
    }) : () -> ()
    %dma_start3A = arith.constant 0 : i32
    %dma_start3A_19 = arith.constant 0 : i32
    %dma_start3A_20 = tpu.memref_slice %arg7[%dma_start3A, %dma_start3A_19] : memref<40x128xi32, #tpu.memory_space<vmem>> -> memref<1x128xi32, #tpu.memory_space<vmem>>
    %dma_start3A_21 = tpu.memref_squeeze %dma_start3A_20 : memref<1x128xi32, #tpu.memory_space<vmem>> -> memref<128xi32, #tpu.memory_space<vmem>>
    %dma_start3A_22 = arith.constant 0 : i32
    %dma_start3A_23 = arith.constant 0 : i32
    %dma_start3A_24 = tpu.memref_slice %arg5[%dma_start3A_22, %dma_start3A_23] : memref<80000x128xf32, #tpu.memory_space<hbm>> -> memref<80000x128xf32, #tpu.memory_space<hbm>>
    tpu.enqueue_indirect_dma source(%dma_start3A_24 : memref<80000x128xf32, #tpu.memory_space<hbm>>) target(%arg9 : memref<128x128xf32, #tpu.memory_space<vmem>>) offsets(%dma_start3A_21 : memref<128xi32, #tpu.memory_space<vmem>>) semaphore(%arg12 : memref<!tpu.dma_semaphore, #tpu.memory_space<semaphore_mem>>)
    %barrier3A = arith.constant 0 : index
    tpu.barrier barrier_id(%barrier3A)
    %scan3A_25 = arith.constant 0 : i32
    %scan3A_26 = arith.constant 20 : i32
    %scan3A_27 = arith.addi %scan3A_25, %scan3A_26 : i32
    %scan3A_28 = arith.constant 1 : i32
    scf.for %scan3A_31 = %scan3A_25 to %scan3A_27 step %scan3A_28  : i32 {
      %mul3A_32 = arith.constant 2 : i32
      %mul3A_33 = arith.muli %scan3A_31, %mul3A_32 : i32
      %add3A_34 = arith.constant 0 : i32
      %add3A_35 = arith.addi %add3A_34, %mul3A_33 : i32
      %add3A_36 = arith.constant 1 : i32
      %add3A_37 = arith.addi %add3A_35, %add3A_36 : i32
      %dma_start3A_38 = arith.constant 0 : i32
      %dma_start3A_39 = tpu.memref_slice %arg7[%add3A_37, %dma_start3A_38] : memref<40x128xi32, #tpu.memory_space<vmem>> -> memref<1x128xi32, #tpu.memory_space<vmem>>
      %dma_start3A_40 = tpu.memref_squeeze %dma_start3A_39 : memref<1x128xi32, #tpu.memory_space<vmem>> -> memref<128xi32, #tpu.memory_space<vmem>>
      %dma_start3A_41 = arith.constant 0 : i32
      %dma_start3A_42 = arith.constant 0 : i32
      %dma_start3A_43 = tpu.memref_slice %arg5[%dma_start3A_41, %dma_start3A_42] : memref<80000x128xf32, #tpu.memory_space<hbm>> -> memref<80000x128xf32, #tpu.memory_space<hbm>>
      tpu.enqueue_indirect_dma source(%dma_start3A_43 : memref<80000x128xf32, #tpu.memory_space<hbm>>) target(%arg10 : memref<128x128xf32, #tpu.memory_space<vmem>>) offsets(%dma_start3A_40 : memref<128xi32, #tpu.memory_space<vmem>>) semaphore(%arg13 : memref<!tpu.dma_semaphore, #tpu.memory_space<semaphore_mem>>)
      %dma_wait3A = arith.constant 0 : i32
      %dma_wait3A_44 = tpu.memref_slice %arg7[%add3A_35, %dma_wait3A] : memref<40x128xi32, #tpu.memory_space<vmem>> -> memref<1x128xi32, #tpu.memory_space<vmem>>
      %dma_wait3A_45 = tpu.memref_squeeze %dma_wait3A_44 : memref<1x128xi32, #tpu.memory_space<vmem>> -> memref<128xi32, #tpu.memory_space<vmem>>
      %dma_wait3A_46 = arith.constant 0 : i32
      %dma_wait3A_47 = arith.constant 0 : i32
      %dma_wait3A_48 = tpu.memref_slice %arg5[%dma_wait3A_46, %dma_wait3A_47] : memref<80000x128xf32, #tpu.memory_space<hbm>> -> memref<80000x128xf32, #tpu.memory_space<hbm>>
      tpu.wait_indirect_dma semaphore(%arg12 : memref<!tpu.dma_semaphore, #tpu.memory_space<semaphore_mem>>) src(%dma_wait3A_48 : memref<80000x128xf32, #tpu.memory_space<hbm>>) dst(%arg9 : memref<128x128xf32, #tpu.memory_space<vmem>>)
      "tpu.region"() ({
        %run_scoped3A = tpu.sem_alloc : memref<!tpu.dma_semaphore, #tpu.memory_space<semaphore_mem>>
        %dma_start3A_63 = arith.constant 0 : i32
        %dma_start3A_64 = tpu.memref_slice %arg8[%add3A_35, %dma_start3A_63] : memref<40x128xi32, #tpu.memory_space<vmem>> -> memref<1x128xi32, #tpu.memory_space<vmem>>
        %dma_start3A_65 = tpu.memref_squeeze %dma_start3A_64 : memref<1x128xi32, #tpu.memory_space<vmem>> -> memref<128xi32, #tpu.memory_space<vmem>>
        %dma_start3A_66 = arith.constant 0 : i32
        %dma_start3A_67 = arith.constant 0 : i32
        %dma_start3A_68 = tpu.memref_slice %arg11[%dma_start3A_66, %dma_start3A_67] : memref<10496x128xf32, #tpu.memory_space<vmem_shared>> -> memref<10496x128xf32, #tpu.memory_space<vmem_shared>>
        tpu.enqueue_indirect_dma source(%arg9 : memref<128x128xf32, #tpu.memory_space<vmem>>) target(%dma_start3A_68 : memref<10496x128xf32, #tpu.memory_space<vmem_shared>>) offsets(%dma_start3A_65 : memref<128xi32, #tpu.memory_space<vmem>>) semaphore(%run_scoped3A : memref<!tpu.dma_semaphore, #tpu.memory_space<semaphore_mem>>) {add = true}
        %dma_wait3A_69 = arith.constant 0 : i32
        %dma_wait3A_70 = tpu.memref_slice %arg8[%add3A_35, %dma_wait3A_69] : memref<40x128xi32, #tpu.memory_space<vmem>> -> memref<1x128xi32, #tpu.memory_space<vmem>>
        %dma_wait3A_71 = tpu.memref_squeeze %dma_wait3A_70 : memref<1x128xi32, #tpu.memory_space<vmem>> -> memref<128xi32, #tpu.memory_space<vmem>>
        %dma_wait3A_72 = arith.constant 0 : i32
        %dma_wait3A_73 = arith.constant 0 : i32
        %dma_wait3A_74 = tpu.memref_slice %arg11[%dma_wait3A_72, %dma_wait3A_73] : memref<10496x128xf32, #tpu.memory_space<vmem_shared>> -> memref<10496x128xf32, #tpu.memory_space<vmem_shared>>
        tpu.wait_indirect_dma semaphore(%run_scoped3A : memref<!tpu.dma_semaphore, #tpu.memory_space<semaphore_mem>>) src(%arg9 : memref<128x128xf32, #tpu.memory_space<vmem>>) dst(%dma_wait3A_74 : memref<10496x128xf32, #tpu.memory_space<vmem_shared>>)
        tpu.yield
      }) : () -> ()
      %add3A_49 = arith.constant 2 : i32
      %add3A_50 = arith.addi %add3A_35, %add3A_49 : i32
      %lt3A = arith.constant 40 : i32
      %lt3A_51 = arith.cmpi slt, %add3A_50, %lt3A : i32
      %convert_element_type3A = arith.extui %lt3A_51 : i1 to i32
      %cond3A = arith.constant 0 : i32
      %cond3A_52 = arith.cmpi ne, %convert_element_type3A, %cond3A : i32
      scf.if %cond3A_52 {
        %add3A_63 = arith.constant 2 : i32
        %add3A_64 = arith.addi %add3A_35, %add3A_63 : i32
        %dma_start3A_65 = arith.constant 0 : i32
        %dma_start3A_66 = tpu.memref_slice %arg7[%add3A_64, %dma_start3A_65] : memref<40x128xi32, #tpu.memory_space<vmem>> -> memref<1x128xi32, #tpu.memory_space<vmem>>
        %dma_start3A_67 = tpu.memref_squeeze %dma_start3A_66 : memref<1x128xi32, #tpu.memory_space<vmem>> -> memref<128xi32, #tpu.memory_space<vmem>>
        %dma_start3A_68 = arith.constant 0 : i32
        %dma_start3A_69 = arith.constant 0 : i32
        %dma_start3A_70 = tpu.memref_slice %arg5[%dma_start3A_68, %dma_start3A_69] : memref<80000x128xf32, #tpu.memory_space<hbm>> -> memref<80000x128xf32, #tpu.memory_space<hbm>>
        tpu.enqueue_indirect_dma source(%dma_start3A_70 : memref<80000x128xf32, #tpu.memory_space<hbm>>) target(%arg9 : memref<128x128xf32, #tpu.memory_space<vmem>>) offsets(%dma_start3A_67 : memref<128xi32, #tpu.memory_space<vmem>>) semaphore(%arg12 : memref<!tpu.dma_semaphore, #tpu.memory_space<semaphore_mem>>)
      } else {
      }
      %add3A_53 = arith.constant 1 : i32
      %add3A_54 = arith.addi %add3A_35, %add3A_53 : i32
      %dma_wait3A_55 = arith.constant 0 : i32
      %dma_wait3A_56 = tpu.memref_slice %arg7[%add3A_54, %dma_wait3A_55] : memref<40x128xi32, #tpu.memory_space<vmem>> -> memref<1x128xi32, #tpu.memory_space<vmem>>
      %dma_wait3A_57 = tpu.memref_squeeze %dma_wait3A_56 : memref<1x128xi32, #tpu.memory_space<vmem>> -> memref<128xi32, #tpu.memory_space<vmem>>
      %dma_wait3A_58 = arith.constant 0 : i32
      %dma_wait3A_59 = arith.constant 0 : i32
      %dma_wait3A_60 = tpu.memref_slice %arg5[%dma_wait3A_58, %dma_wait3A_59] : memref<80000x128xf32, #tpu.memory_space<hbm>> -> memref<80000x128xf32, #tpu.memory_space<hbm>>
      tpu.wait_indirect_dma semaphore(%arg13 : memref<!tpu.dma_semaphore, #tpu.memory_space<semaphore_mem>>) src(%dma_wait3A_60 : memref<80000x128xf32, #tpu.memory_space<hbm>>) dst(%arg10 : memref<128x128xf32, #tpu.memory_space<vmem>>)
      %add3A_61 = arith.constant 1 : i32
      %add3A_62 = arith.addi %add3A_35, %add3A_61 : i32
      "tpu.region"() ({
        %run_scoped3A = tpu.sem_alloc : memref<!tpu.dma_semaphore, #tpu.memory_space<semaphore_mem>>
        %dma_start3A_63 = arith.constant 0 : i32
        %dma_start3A_64 = tpu.memref_slice %arg8[%add3A_62, %dma_start3A_63] : memref<40x128xi32, #tpu.memory_space<vmem>> -> memref<1x128xi32, #tpu.memory_space<vmem>>
        %dma_start3A_65 = tpu.memref_squeeze %dma_start3A_64 : memref<1x128xi32, #tpu.memory_space<vmem>> -> memref<128xi32, #tpu.memory_space<vmem>>
        %dma_start3A_66 = arith.constant 0 : i32
        %dma_start3A_67 = arith.constant 0 : i32
        %dma_start3A_68 = tpu.memref_slice %arg11[%dma_start3A_66, %dma_start3A_67] : memref<10496x128xf32, #tpu.memory_space<vmem_shared>> -> memref<10496x128xf32, #tpu.memory_space<vmem_shared>>
        tpu.enqueue_indirect_dma source(%arg10 : memref<128x128xf32, #tpu.memory_space<vmem>>) target(%dma_start3A_68 : memref<10496x128xf32, #tpu.memory_space<vmem_shared>>) offsets(%dma_start3A_65 : memref<128xi32, #tpu.memory_space<vmem>>) semaphore(%run_scoped3A : memref<!tpu.dma_semaphore, #tpu.memory_space<semaphore_mem>>) {add = true}
        %dma_wait3A_69 = arith.constant 0 : i32
        %dma_wait3A_70 = tpu.memref_slice %arg8[%add3A_62, %dma_wait3A_69] : memref<40x128xi32, #tpu.memory_space<vmem>> -> memref<1x128xi32, #tpu.memory_space<vmem>>
        %dma_wait3A_71 = tpu.memref_squeeze %dma_wait3A_70 : memref<1x128xi32, #tpu.memory_space<vmem>> -> memref<128xi32, #tpu.memory_space<vmem>>
        %dma_wait3A_72 = arith.constant 0 : i32
        %dma_wait3A_73 = arith.constant 0 : i32
        %dma_wait3A_74 = tpu.memref_slice %arg11[%dma_wait3A_72, %dma_wait3A_73] : memref<10496x128xf32, #tpu.memory_space<vmem_shared>> -> memref<10496x128xf32, #tpu.memory_space<vmem_shared>>
        tpu.wait_indirect_dma semaphore(%run_scoped3A : memref<!tpu.dma_semaphore, #tpu.memory_space<semaphore_mem>>) src(%arg10 : memref<128x128xf32, #tpu.memory_space<vmem>>) dst(%dma_wait3A_74 : memref<10496x128xf32, #tpu.memory_space<vmem_shared>>)
        tpu.yield
      }) : () -> ()
    }
    %scan3A_29 = arith.constant 20 : i32
    %barrier3A_30 = arith.constant 0 : index
    tpu.barrier barrier_id(%barrier3A_30)
    "tpu.region"() ({
      %run_scoped3A = tpu.sem_alloc : memref<!tpu.dma_semaphore, #tpu.memory_space<semaphore_mem>>
      %dma_start3A_31 = arith.constant 0 : i32
      %dma_start3A_32 = tpu.memref_slice %arg6[%arg0, %mul3A_6, %dma_start3A_31] : memref<2x10496x128xf32, #tpu.memory_space<hbm>> -> memref<1x656x128xf32, #tpu.memory_space<hbm>>
      %dma_start3A_33 = tpu.memref_squeeze %dma_start3A_32 : memref<1x656x128xf32, #tpu.memory_space<hbm>> -> memref<656x128xf32, #tpu.memory_space<hbm>>
      %dma_start3A_34 = arith.constant 0 : i32
      %dma_start3A_35 = tpu.memref_slice %arg11[%mul3A_6, %dma_start3A_34] : memref<10496x128xf32, #tpu.memory_space<vmem_shared>> -> memref<656x128xf32, #tpu.memory_space<vmem_shared>>
      tpu.enqueue_dma source(%dma_start3A_35 : memref<656x128xf32, #tpu.memory_space<vmem_shared>>) target(%dma_start3A_33 : memref<656x128xf32, #tpu.memory_space<hbm>>) target_semaphore(%run_scoped3A : memref<!tpu.dma_semaphore, #tpu.memory_space<semaphore_mem>>)
      %dma_wait3A = arith.constant 0 : i32
      %dma_wait3A_36 = tpu.memref_slice %arg6[%arg0, %mul3A_6, %dma_wait3A] : memref<2x10496x128xf32, #tpu.memory_space<hbm>> -> memref<1x656x128xf32, #tpu.memory_space<hbm>>
      %dma_wait3A_37 = tpu.memref_squeeze %dma_wait3A_36 : memref<1x656x128xf32, #tpu.memory_space<hbm>> -> memref<656x128xf32, #tpu.memory_space<hbm>>
      %dma_wait3A_38 = arith.constant 0 : i32
      %dma_wait3A_39 = tpu.memref_slice %arg11[%mul3A_6, %dma_wait3A_38] : memref<10496x128xf32, #tpu.memory_space<vmem_shared>> -> memref<656x128xf32, #tpu.memory_space<vmem_shared>>
      tpu.wait_dma2 semaphore(%run_scoped3A : memref<!tpu.dma_semaphore, #tpu.memory_space<semaphore_mem>>) src(%dma_wait3A_39 : memref<656x128xf32, #tpu.memory_space<vmem_shared>>) dst(%dma_wait3A_37 : memref<656x128xf32, #tpu.memory_space<hbm>>)
      tpu.yield
    }) : () -> ()
    return
  }
}

module attributes {stable_mosaic.version = 14 : i64} {
  func.func @_mm_body(%arg0: i32, %arg1: memref<400x128xf32, #tpu.memory_space<vmem>>, %arg2: memref<128x1024xf32, #tpu.memory_space<vmem>>, %arg3: memref<128x128xf32, #tpu.memory_space<vmem>>, %arg4: memref<400x1024xf32, #tpu.memory_space<vmem>>, %arg5: memref<400x128xf32, #tpu.memory_space<vmem>>) attributes {dimension_semantics = [#tpu.dimension_semantics<arbitrary>], iteration_bounds = array<i64: 25>, scalar_prefetch = 0 : i64, scratch_operands = 0 : i64, tpu.core_type = #tpu.core_type<tc>, window_params = [{transform_indices = @transform_0, window_bounds = array<i64: 400, 128>}, {pipeline_mode = #tpu.pipeline_mode<synchronous>, transform_indices = @transform_1, window_bounds = array<i64: 128, 1024>}, {pipeline_mode = #tpu.pipeline_mode<synchronous>, transform_indices = @transform_2, window_bounds = array<i64: 128, 128>}, {transform_indices = @transform_3, window_bounds = array<i64: 400, 1024>}, {transform_indices = @transform_4, window_bounds = array<i64: 400, 128>}]} {
    %get3A = arith.constant 0 : index
    %get3A_0 = arith.constant 0 : index
    %get3A_1 = vector.load %arg1[%get3A, %get3A_0] : memref<400x128xf32, #tpu.memory_space<vmem>>, vector<400x128xf32>
    %get3A_2 = arith.constant 0 : index
    %get3A_3 = arith.constant 0 : index
    %get3A_4 = vector.load %arg2[%get3A_2, %get3A_3] : memref<128x1024xf32, #tpu.memory_space<vmem>>, vector<128x1024xf32>
    %dot_general3A = arith.constant dense<0.000000e+00> : vector<400x1024xf32>
    %dot_general3A_5 = tpu.matmul %get3A_1, %get3A_4, %dot_general3A {dimension_numbers = #tpu.dot_dimension_numbers<[1], [0], [0], [1], [0, 0, 1, 1], [], []>, precision = #tpu.contract_precision<fp32>, transpose_lhs_hint = false} : vector<400x128xf32>, vector<128x1024xf32>, vector<400x1024xf32> -> vector<400x1024xf32>
    %swap3A = arith.constant 0 : index
    %swap3A_6 = arith.constant 0 : index
    %swap3A_7 = vector.load %arg4[%swap3A, %swap3A_6] : memref<400x1024xf32, #tpu.memory_space<vmem>>, vector<400x1024xf32>
    tpu.vector_store %arg4[%swap3A, %swap3A_6], %dot_general3A_5 {strides = array<i32>} : memref<400x1024xf32, #tpu.memory_space<vmem>>, vector<400x1024xf32>,
    %get3A_8 = arith.constant 0 : index
    %get3A_9 = arith.constant 0 : index
    %get3A_10 = vector.load %arg3[%get3A_8, %get3A_9] : memref<128x128xf32, #tpu.memory_space<vmem>>, vector<128x128xf32>
    %dot_general3A_11 = arith.constant dense<0.000000e+00> : vector<400x128xf32>
    %dot_general3A_12 = tpu.matmul %get3A_1, %get3A_10, %dot_general3A_11 {dimension_numbers = #tpu.dot_dimension_numbers<[1], [0], [0], [1], [0, 0, 1, 1], [], []>, precision = #tpu.contract_precision<fp32>, transpose_lhs_hint = false} : vector<400x128xf32>, vector<128x128xf32>, vector<400x128xf32> -> vector<400x128xf32>
    %swap3A_13 = arith.constant 0 : index
    %swap3A_14 = arith.constant 0 : index
    %swap3A_15 = vector.load %arg5[%swap3A_13, %swap3A_14] : memref<400x128xf32, #tpu.memory_space<vmem>>, vector<400x128xf32>
    tpu.vector_store %arg5[%swap3A_13, %swap3A_14], %dot_general3A_12 {strides = array<i32>} : memref<400x128xf32, #tpu.memory_space<vmem>>, vector<400x128xf32>,
    return
  }
  func.func @transform_0(%arg0: i32) -> (i32, i32) {
    %c0_i32 = arith.constant 0 : i32
    %c0_i32_0 = arith.constant 0 : i32
    return %arg0, %c0_i32 : i32, i32
  }
  func.func @transform_1(%arg0: i32) -> (i32, i32) {
    %c0_i32 = arith.constant 0 : i32
    %c0_i32_0 = arith.constant 0 : i32
    %c0_i32_1 = arith.constant 0 : i32
    return %c0_i32, %c0_i32_0 : i32, i32
  }
  func.func @transform_2(%arg0: i32) -> (i32, i32) {
    %c0_i32 = arith.constant 0 : i32
    %c0_i32_0 = arith.constant 0 : i32
    %c0_i32_1 = arith.constant 0 : i32
    return %c0_i32, %c0_i32_0 : i32, i32
  }
  func.func @transform_3(%arg0: i32) -> (i32, i32) {
    %c0_i32 = arith.constant 0 : i32
    %c0_i32_0 = arith.constant 0 : i32
    return %arg0, %c0_i32 : i32, i32
  }
  func.func @transform_4(%arg0: i32) -> (i32, i32) {
    %c0_i32 = arith.constant 0 : i32
    %c0_i32_0 = arith.constant 0 : i32
    return %arg0, %c0_i32 : i32, i32
  }
}

module attributes {stable_mosaic.version = 14 : i64} {
  func.func @_combine_body(%arg0: i32, %arg1: memref<2x400x128xf32, #tpu.memory_space<vmem>>, %arg2: memref<400x128xf32, #tpu.memory_space<vmem>>, %arg3: memref<1x128xf32, #tpu.memory_space<vmem>>, %arg4: memref<400x128xf32, #tpu.memory_space<vmem>>) attributes {dimension_semantics = [#tpu.dimension_semantics<arbitrary>], iteration_bounds = array<i64: 25>, scalar_prefetch = 0 : i64, scratch_operands = 0 : i64, tpu.core_type = #tpu.core_type<tc>, window_params = [{transform_indices = @transform_0, window_bounds = array<i64: 2, 400, 128>}, {transform_indices = @transform_1, window_bounds = array<i64: 400, 128>}, {pipeline_mode = #tpu.pipeline_mode<synchronous>, transform_indices = @transform_2, window_bounds = array<i64: 1, 128>}, {transform_indices = @transform_3, window_bounds = array<i64: 400, 128>}]} {
    %get3A = arith.constant 0 : index
    %get3A_0 = arith.constant 0 : index
    %get3A_1 = arith.constant 0 : index
    %get3A_2 = vector.load %arg1[%get3A, %get3A_0, %get3A_1] : memref<2x400x128xf32, #tpu.memory_space<vmem>>, vector<1x400x128xf32>
    %get3A_3 = vector.shape_cast %get3A_2 : vector<1x400x128xf32> to vector<400x128xf32>
    %get3A_4 = arith.constant 1 : index
    %get3A_5 = arith.constant 0 : index
    %get3A_6 = arith.constant 0 : index
    %get3A_7 = vector.load %arg1[%get3A_4, %get3A_5, %get3A_6] : memref<2x400x128xf32, #tpu.memory_space<vmem>>, vector<1x400x128xf32>
    %get3A_8 = vector.shape_cast %get3A_7 : vector<1x400x128xf32> to vector<400x128xf32>
    %add3A = arith.addf %get3A_3, %get3A_8 : vector<400x128xf32>
    %get3A_9 = arith.constant 0 : index
    %get3A_10 = arith.constant 0 : index
    %get3A_11 = vector.load %arg2[%get3A_9, %get3A_10] : memref<400x128xf32, #tpu.memory_space<vmem>>, vector<400x128xf32>
    %add3A_12 = arith.addf %add3A, %get3A_11 : vector<400x128xf32>
    %get3A_13 = arith.constant 0 : index
    %get3A_14 = arith.constant 0 : index
    %get3A_15 = vector.load %arg3[%get3A_13, %get3A_14] : memref<1x128xf32, #tpu.memory_space<vmem>>, vector<1x128xf32>
    %add3A_16 = vector.broadcast %get3A_15 : vector<1x128xf32> to vector<400x128xf32>
    %add3A_17 = arith.addf %add3A_12, %add3A_16 : vector<400x128xf32>
    %swap3A = arith.constant 0 : index
    %swap3A_18 = arith.constant 0 : index
    %swap3A_19 = vector.load %arg4[%swap3A, %swap3A_18] : memref<400x128xf32, #tpu.memory_space<vmem>>, vector<400x128xf32>
    tpu.vector_store %arg4[%swap3A, %swap3A_18], %add3A_17 {strides = array<i32>} : memref<400x128xf32, #tpu.memory_space<vmem>>, vector<400x128xf32>,
    return
  }
  func.func @transform_0(%arg0: i32) -> (i32, i32, i32) {
    %c0_i32 = arith.constant 0 : i32
    %c0_i32_0 = arith.constant 0 : i32
    %c0_i32_1 = arith.constant 0 : i32
    return %c0_i32, %arg0, %c0_i32_0 : i32, i32, i32
  }
  func.func @transform_1(%arg0: i32) -> (i32, i32) {
    %c0_i32 = arith.constant 0 : i32
    %c0_i32_0 = arith.constant 0 : i32
    return %arg0, %c0_i32 : i32, i32
  }
  func.func @transform_2(%arg0: i32) -> (i32, i32) {
    %c0_i32 = arith.constant 0 : i32
    %c0_i32_0 = arith.constant 0 : i32
    %c0_i32_1 = arith.constant 0 : i32
    return %c0_i32, %c0_i32_0 : i32, i32
  }
  func.func @transform_3(%arg0: i32) -> (i32, i32) {
    %c0_i32 = arith.constant 0 : i32
    %c0_i32_0 = arith.constant 0 : i32
    return %arg0, %c0_i32 : i32, i32
  }
}

module attributes {stable_mosaic.version = 14 : i64} {
  func.func @_combine_body(%arg0: i32, %arg1: memref<2x400x128xf32, #tpu.memory_space<vmem>>, %arg2: memref<400x128xf32, #tpu.memory_space<vmem>>, %arg3: memref<1x128xf32, #tpu.memory_space<vmem>>, %arg4: memref<400x128xf32, #tpu.memory_space<vmem>>) attributes {dimension_semantics = [#tpu.dimension_semantics<arbitrary>], iteration_bounds = array<i64: 25>, scalar_prefetch = 0 : i64, scratch_operands = 0 : i64, tpu.core_type = #tpu.core_type<tc>, window_params = [{transform_indices = @transform_0, window_bounds = array<i64: 2, 400, 128>}, {transform_indices = @transform_1, window_bounds = array<i64: 400, 128>}, {pipeline_mode = #tpu.pipeline_mode<synchronous>, transform_indices = @transform_2, window_bounds = array<i64: 1, 128>}, {transform_indices = @transform_3, window_bounds = array<i64: 400, 128>}]} {
    %get3A = arith.constant 0 : index
    %get3A_0 = arith.constant 0 : index
    %get3A_1 = arith.constant 0 : index
    %get3A_2 = vector.load %arg1[%get3A, %get3A_0, %get3A_1] : memref<2x400x128xf32, #tpu.memory_space<vmem>>, vector<1x400x128xf32>
    %get3A_3 = vector.shape_cast %get3A_2 : vector<1x400x128xf32> to vector<400x128xf32>
    %get3A_4 = arith.constant 1 : index
    %get3A_5 = arith.constant 0 : index
    %get3A_6 = arith.constant 0 : index
    %get3A_7 = vector.load %arg1[%get3A_4, %get3A_5, %get3A_6] : memref<2x400x128xf32, #tpu.memory_space<vmem>>, vector<1x400x128xf32>
    %get3A_8 = vector.shape_cast %get3A_7 : vector<1x400x128xf32> to vector<400x128xf32>
    %add3A = arith.addf %get3A_3, %get3A_8 : vector<400x128xf32>
    %get3A_9 = arith.constant 0 : index
    %get3A_10 = arith.constant 0 : index
    %get3A_11 = vector.load %arg2[%get3A_9, %get3A_10] : memref<400x128xf32, #tpu.memory_space<vmem>>, vector<400x128xf32>
    %add3A_12 = arith.addf %add3A, %get3A_11 : vector<400x128xf32>
    %get3A_13 = arith.constant 0 : index
    %get3A_14 = arith.constant 0 : index
    %get3A_15 = vector.load %arg3[%get3A_13, %get3A_14] : memref<1x128xf32, #tpu.memory_space<vmem>>, vector<1x128xf32>
    %add3A_16 = vector.broadcast %get3A_15 : vector<1x128xf32> to vector<400x128xf32>
    %add3A_17 = arith.addf %add3A_12, %add3A_16 : vector<400x128xf32>
    %max3A = arith.constant 0.000000e+00 : f32
    %max3A_18 = vector.broadcast %max3A : f32 to vector<400x128xf32>
    %max3A_19 = arith.maximumf %add3A_17, %max3A_18 : vector<400x128xf32>
    %swap3A = arith.constant 0 : index
    %swap3A_20 = arith.constant 0 : index
    %swap3A_21 = vector.load %arg4[%swap3A, %swap3A_20] : memref<400x128xf32, #tpu.memory_space<vmem>>, vector<400x128xf32>
    tpu.vector_store %arg4[%swap3A, %swap3A_20], %max3A_19 {strides = array<i32>} : memref<400x128xf32, #tpu.memory_space<vmem>>, vector<400x128xf32>,
    return
  }
  func.func @transform_0(%arg0: i32) -> (i32, i32, i32) {
    %c0_i32 = arith.constant 0 : i32
    %c0_i32_0 = arith.constant 0 : i32
    %c0_i32_1 = arith.constant 0 : i32
    return %c0_i32, %arg0, %c0_i32_0 : i32, i32, i32
  }
  func.func @transform_1(%arg0: i32) -> (i32, i32) {
    %c0_i32 = arith.constant 0 : i32
    %c0_i32_0 = arith.constant 0 : i32
    return %arg0, %c0_i32 : i32, i32
  }
  func.func @transform_2(%arg0: i32) -> (i32, i32) {
    %c0_i32 = arith.constant 0 : i32
    %c0_i32_0 = arith.constant 0 : i32
    %c0_i32_1 = arith.constant 0 : i32
    return %c0_i32, %c0_i32_0 : i32, i32
  }
  func.func @transform_3(%arg0: i32) -> (i32, i32) {
    %c0_i32 = arith.constant 0 : i32
    %c0_i32_0 = arith.constant 0 : i32
    return %arg0, %c0_i32 : i32, i32
  }
}

</mosaic_0001>

<sc_bundles>
// kernel: kernel.11.cloned.1.call-start
scs
__scs_entry_jumppad:
0x0: {  	(pc) =	sbr.rel $0x88, $3  }
0x1: {  	(tag) =	ssettag $0x0;
	lr =	simm.s32 $0x1  }
0x2: {  	[smem:$0x3F98] =	sst lr;
	_ =	strace $0xD0000000  }
0x3: {  	_ = 	snop  }
0x4: {  	_ = 	snop  }
0x5: {  	_ = 	snop  }
0x6: {  	_ = 	snop  }
0x7: {  	_ = 	snop  }
__scs_overlays_trampoline_lowered:
0x8: {  	[smem:$0x3FA7] =	sst s0  }
0x9: {  	[smem:$0x3FA8] =	sst s1  }
0xa: {  	[smem:$0x3FA9] =	sst s2  }
0xb: {  	[smem:$0x3FAA] =	sst s3  }
0xc: {  	[smem:$0x3FAB] =	sst s4  }
0xd: {  	[smem:$0x3FAC] =	sst s5  }
0xe: {  	[smem:$0x3FAD] =	sst s6  }
0xf: {  	[smem:$0x3FAE] =	sst s7  }
0x10: {  	[smem:$0x3FAF] =	sst s8  }
0x11: {  	[smem:$0x3FB0] =	sst s9;
	s0 =	simm.s32 @!p0 $0x0  }
0x12: {  	s1 =	sld [smem:$0x3F96];
	s0 =	simm.s32 @p0 $0x1  }
0x13: {  	[smem:$0x3FB1] =	sst s0;
	s0 =	simm.s32 @!p1 $0x0  }
0x14: {  	s2 =	sld [smem:$0x3F95];
	s0 =	simm.s32 @p1 $0x1  }
0x15: {  	[smem:$0x3FB2] =	sst s0;
	s0 =	simm.s32 @!p2 $0x0  }
0x16: {  	s3 =	sld [smem:$0x3FDB];
	s0 =	simm.s32 @p2 $0x1  }
0x17: {  	s4 =	simm.s32 $0x1BF5;
	[smem:$0x3FB4] =	sst s0  }
0x18: {  	s0 =	sld [smem:$0x3F97];
	_ =	swait.ge [sflag:s4], $0x0  }
0x19: {  	s7 =	sld [smem:$0x3F98]  }
0x1a: {  	s8 =	sadd.s32 $0xFFFFE003, lr  }
0x1b: {  	s9 =	sadd.s32 $0xFFFFFEF7, lr;
	s5 =	simm.s32 $0xFFFFFFFF;
	p2 =	slt.u32 s8, $0xFFFFF086  }
0x1c: {  	p1 =	slt.u32 s9, $0xF7A;
	s5 =	simm.s32 @!p2 $0x0  }
0x1d: {  	s5 =	simm.s32 @p1 $0x1;
	p0 =	seq.s32 s7, s2  }
0x1e: {  	s7 =	smul.u32 @!p0 $0xF7A, s2;
	p2 =	seq.s32 @!p0 s5, $0x0  }
0x1f: {  	s9 =	smul.u32 $0xF7A, s1;
	s8 =	simm.s32 @!p0 $0x1BF5;
	p2 =	por !p2, p0  }
0x20: {  	[sflag:s8] =	ssyncset.s32 @!p0 $0xFFFFF086;
	s6 =	sadd.s32 @!p0 s3, s7;
	s7 =	simm.s32 @!p0 $0x108  }
0x21: {  	s3 =	sadd.s32 s3, s9;
	s6 =	sadd.s32 @!p0 $0x88, s6;
	s7 =	simm.s32 @p2 $0x1082  }
0x22: {  	[simem:s7], [sflag:s8] =	dma.local @!p0 [hbm:s6], $0xF7A  }
0x23: {  	s9 =	sor.u32 $0xD0000000, s2;
	s6 =	simm.s32 $0x108;
	_ =	swait.ge @!p0 [sflag:s8], $0x0  }
0x24: {  	s3 =	sadd.s32 $0x88, s3;
	s6 =	simm.s32 @!p1 $0x1082;
	[sflag:s4] =	ssyncset.s32 $0xFFFFF086  }
0x25: {  	[simem:s6], [sflag:s4] =	dma.local [hbm:s3], $0xF7A  }
0x26: {  	[smem:$0x3F98] =	sst s1;
	(tag) =	ssettag s2;
	_ =	strace s9  }
0x27: {  	s1 =	sld [smem:$0x3FA8]  }
0x28: {  	s2 =	sld [smem:$0x3FA9]  }
0x29: {  	s4 =	sld [smem:$0x3FAB]  }
0x2a: {  	p0 =	seq.s32 s5, $0x0;
	s5 =	sld [smem:$0x3FAC]  }
0x2b: {  	s6 =	sld [smem:$0x3FAD]  }
0x2c: {  	s7 =	sld [smem:$0x3FAE]  }
0x2d: {  	s3 =	simm.s32 $0x108;
	s8 =	sld [smem:$0x3FAF]  }
0x2e: {  	s3 =	simm.s32 @!p0 $0x1082;
	s9 =	sld [smem:$0x3FB0]  }
0x2f: {  	lr =	sadd.s32 s0, s3;
	s0 =	sld [smem:$0x3FA7]  }
0x30: {  	s3 =	sld [smem:$0x3FAA]  }
0x31: {  	[smem:$0x3FB3] =	sst s10  }
0x32: {  	s10 =	sld [smem:$0x3FB1];
	_ =	sdelay $0x3  }
0x33: {  	p0 =	seq.s32 s10, $0x1;
	s10 =	sld [smem:$0x3FB3];
	_ =	sdelay $0x3  }
0x34: {  	[smem:$0x3FB3] =	sst s10  }
0x35: {  	s10 =	sld [smem:$0x3FB2];
	_ =	sdelay $0x3  }
0x36: {  	p1 =	seq.s32 s10, $0x1;
	s10 =	sld [smem:$0x3FB3];
	_ =	sdelay $0x3  }
0x37: {  	[smem:$0x3FB3] =	sst s10  }
0x38: {  	s10 =	sld [smem:$0x3FB4]  }
0x39: {  	_ = 	snop;
	(pc) =	sbr.ind lr, $3  }
0x3a: {  	_ = 	snop  }
0x3b: {  	_ = 	snop  }
0x3c: {  	p2 =	seq.s32 s10, $0x1;
	s10 =	sld [smem:$0x3FB3]  }
0x3d: {  	_ =	shalt  }
0x3e: {  	_ =	shalt  }
0x3f: {  	_ =	shalt  }
0x40: {  	_ =	shalt  }
0x41: {  	_ =	shalt  }
0x42: {  	_ =	shalt  }
0x43: {  	_ =	shalt  }
0x44: {  	_ =	shalt  }
0x45: {  	_ =	shalt  }
0x46: {  	_ =	shalt  }
0x47: {  	_ =	shalt  }
0x48: {  	_ =	shalt  }
0x49: {  	_ =	shalt  }
0x4a: {  	_ =	shalt  }
0x4b: {  	_ =	shalt  }
0x4c: {  	_ =	shalt  }
0x4d: {  	_ =	shalt  }
0x4e: {  	_ =	shalt  }
0x4f: {  	_ =	shalt  }
0x50: {  	_ =	shalt  }
0x51: {  	_ =	shalt  }
0x52: {  	_ =	shalt  }
0x53: {  	_ =	shalt  }
0x54: {  	_ =	shalt  }
0x55: {  	_ =	shalt  }
0x56: {  	_ =	shalt  }
0x57: {  	_ =	shalt  }
0x58: {  	_ =	shalt  }
0x59: {  	_ =	shalt  }
0x5a: {  	_ =	shalt  }
0x5b: {  	_ =	shalt  }
0x5c: {  	_ =	shalt  }
0x5d: {  	_ =	shalt  }
0x5e: {  	_ =	shalt  }
0x5f: {  	_ =	shalt  }
0x60: {  	_ =	shalt  }
0x61: {  	_ =	shalt  }
0x62: {  	_ =	shalt  }
0x63: {  	_ =	shalt  }
0x64: {  	_ =	shalt  }
0x65: {  	_ =	shalt  }
0x66: {  	_ =	shalt  }
0x67: {  	_ =	shalt  }
0x68: {  	_ =	shalt  }
0x69: {  	_ =	shalt  }
0x6a: {  	_ =	shalt  }
0x6b: {  	_ =	shalt  }
0x6c: {  	_ =	shalt  }
0x6d: {  	_ =	shalt  }
0x6e: {  	_ =	shalt  }
0x6f: {  	_ =	shalt  }
0x70: {  	_ =	shalt  }
0x71: {  	_ =	shalt  }
0x72: {  	_ =	shalt  }
0x73: {  	_ =	shalt  }
0x74: {  	_ =	shalt  }
0x75: {  	_ =	shalt  }
0x76: {  	_ =	shalt  }
0x77: {  	_ =	shalt  }
0x78: {  	_ =	shalt  }
0x79: {  	_ =	shalt  }
0x7a: {  	_ =	shalt  }
0x7b: {  	_ =	shalt  }
0x7c: {  	_ =	shalt  }
0x7d: {  	_ =	shalt  }
0x7e: {  	_ =	shalt  }
0x7f: {  	_ =	shalt  }
0x80: {  	_ =	shalt  }
0x81: {  	_ =	shalt  }
0x82: {  	_ =	shalt  }
0x83: {  	_ =	shalt  }
0x84: {  	_ =	shalt  }
0x85: {  	_ =	shalt  }
0x86: {  	_ =	shalt  }
0x87: {  	_ =	shalt  }
.Lfunc_end0:
.L_simem_size_0:
called_computation.1_lowered:
.L_overlay_start_0:
0x88: {  	s2 =	sld [smem:$0x3FD9]  }
0x89: {  	s3 =	sld [smem:$0x3FFE];
	_ =	sdelay $0x1  }
0x8a: {  	s1 =	srdreg.scid  }
0x8b: {  	s0 =	sand.u32 $0x1, s1  }
0x8c: {  	s17 =	sshll.u32 s0, $0xA;
	s2 =	sadd.s32 s3, s2  }
0x8d: {  	s2 =	sadd.s32 s2, s17  }
0x8e: {  	[smem:$0x3FBF] =	sst s2  }
0x8f: {  	_ = 	snop  }
0x90: {  	s2 =	sld [smem:$0x3FD0];
	(tm) =	ssettm $0x1  }
0x91: {  	s18 =	sld [smem:$0x3FFB];
	_ =	sdelay $0x3  }
0x92: {  	_ =	strace s18  }
0x93: {  	s3 =	sld [smem:$0x3FFC];
	_ =	sdelay $0x3  }
0x94: {  	_ =	strace s3  }
0x95: {  	s3 =	sld [smem:$0x3FFD];
	_ =	sdelay $0x3  }
0x96: {  	_ =	strace s3  }
0x97: {  	_ =	strace $0x8FFFFFFF  }
0x98: {  	s19 =	sld [smem:$0x3FDB];
	_ =	sdelay $0x1  }
0x99: {  	s4 =	simm.s32 $_scs_section_size  }
0x9a: {  	s5 =	simm.s32 $_size__tile_overlayer_lowered;
	s6 =	simm.s32 $_tile_overlayer_lowered  }
0x9b: {  	s22 =	simm.s32 $0x1BFF;
	s21 =	sshll.u32 s6, $0x1;
	s3 =	sadd.s32 s4, s19  }
0x9c: {  	s7 =	simm.s32 $0x0;
	s20 =	sshll.u32 s5, $0x1;
	s5 =	sadd.s32 s21, s3  }
0x9d: {  	[timem:s7], [sflag:s22] =	dma.local [hbm:s5], s20  }
0x9e: {  	_ =	swait.ge [sflag:s22], s20  }
0x9f: {  	s4 =	ssub.s32 $0x0, s20;
	[sflag:s22] =	ssyncset.done $0x0  }
0xa0: {  	[sflag:s22] =	ssyncadd.s32 s4;
	_ =	sdelay $0x1  }
0xa1: {  	s23 =	simm.s32 $0x1B8B  }
0xa2: {  	_ =	swait.ge [sflag:s23], $0x1  }
0xa3: {  	[sflag:s23] =	ssyncset.done $0x0  }
0xa4: {  	s25 =	simm.s32 $0x1B8E;
	s24 =	sld [smem:$0x3FFE];
	[sflag:s23] =	ssyncadd.s32 $0xFFFFFFFF  }
0xa5: {  	s26 =	simm.s32 $execute0_lowered;
	[smem:$0x3FD2] =	sst s25  }
0xa6: {  	s5 =	sshll.u32 s26, $0x1;
	_ =	strace $0x80000049;
	[dreg:$0x1] =	wrdreg $0xFFFFFFFF  }
0xa7: {  	s28 =	simm.s32 $_size_execute0_lowered;
	s3 =	sadd.s32 s3, s5;
	[dreg:$0x0] =	wrdreg $0x0  }
0xa8: {  	s5 =	sshll.u32 s28, $0x1;
	[dreg:$0x2] =	wrdreg s3  }
0xa9: {  	[dreg:$0x3] =	wrdreg s5  }
0xaa: {  	[dreg:$0x4] =	wrdreg $0xC0  }
0xab: {  	_ =	task [dreg:s7], $0x5FFFF  }
0xac: {  	[dreg:$0x1] =	wrdreg $0xFFFFFFFF  }
0xad: {  	[dreg:$0x0] =	wrdreg $0x60  }
0xae: {  	[dreg:$0x2] =	wrdreg s2  }
0xaf: {  	[dreg:$0x3] =	wrdreg s24  }
0xb0: {  	[dreg:$0x4] =	wrdreg $0xA8000  }
0xb1: {  	[dreg:$0x5] =	wrdreg $0x9  }
0xb2: {  	_ =	task.clear_ibuf [dreg:s7], $0x6FFFF;
	_ =	strace $0x90000049  }
0xb3: {  	s29 =	simm.s32 $0x9;
	_ =	strace $0x8000004B  }
0xb4: {  	_ =	swait.ge [sflag:s29], $0x1  }
0xb5: {  	[sflag:s29] =	ssyncadd.s32 $0xFFFFFFFF  }
0xb6: {  	_ =	strace $0x9000004B  }
0xb7: {  	_ =	sfence  }
0xb8: {  	s30 =	sld [smem:$0x0];
	_ =	sdelay $0x2  }
0xb9: {  	s31 =	sshll.u32 s1, $0xD;
	s1 =	sshrl.u32 s1, $0x2  }
0xba: {  	s3 =	sand.u32 $0x4000, s31;
	s1 =	sadd.s32 s1, s30  }
0xbb: {  	s0 =	sor.u32 s3, s0;
	s1 =	sshll.u32 s1, $0x11  }
0xbc: {  	s0 =	sor.u32 s1, s0  }
0xbd: {  	s0 =	sadd.s32 $0x8F2B, s0  }
0xbe: {  	[sflag:s0] =	ssyncadd.remote.s32 $0x1  }
0xbf: {  	_ =	sfence.sel $0xFFFF  }
0xc0: {  	[dreg:$0x0] =	wrdreg $0xFFFFFFFF;
	(pc) =	sbr.abs _section_cstart, $3  }
0xc1: {  	[dreg:$0x1] =	wrdreg $0xFFFFFFFF  }
0xc2: {  	_ =	task.clear_ibuf [dreg:s7], $0x2FFFF;
	_ =	strace $0x9FFFFFFF  }
0xc3: {  	(tm) =	ssettm $0x7FFFFFFF  }
tec
execute0_lowered:
.L_overlay_start_1:
0x0: {  	(tag) =	ssettag $0x1  }
0x1: {  	s1 =	srdreg.scid;
	s7 =	rddreg [dreg:$0x0]  }
0x2: {  	s0 =	stileid.u32;
	s6 =	rddreg [dreg:$0x1]  }
0x3: {  	s2 =	rddreg [dreg:$0x2];
	s3 =	simm.s32 $0x0;
	s16 =	simm.s32 $0x2800  }
0x4: {  	s17 =	simm.s32 $0x3;
	s18 =	simm.s32 $0x1400;
	s19 =	simm.s32 $0x80  }
0x5: {  	s20 =	simm.s32 $0x6800;
	s21 =	simm.s32 $0x1;
	s22 =	simm.s32 $0x2  }
0x6: {  	s23 =	simm.s32 $0x1380;
	s24 =	simm.s32 $0x2700;
	s25 =	simm.s32 $0x2780  }
0x7: {  	s5 =	sand.u32 $0x1, s1;
	s26 =	sshll.u32 s0, $0x1;
	s10 =	smul.u32 $0x14800, s0  }
0x8: {  	[smem:$0x7FF] =	sst s3;
	s11 =	smul.u32 $0x52000, s0;
	s4 =	sadd.s32 $0x144200, s6  }
0x9: {  	s1 =	sor.u32 s5, s26;
	s9 =	smul.u32 $0x148000, s5;
	s28 =	ssub.s32 $0x2, s5  }
0xa: {  	s8 =	smul.u32 $0x280, s1;
	s1 =	rddreg [dreg:$0x3];
	_ =	strace $0x8000004A  }
0xb: {  	s29 =	sshrl.u32 s11, $0x2;
	s31 =	sshrl.u32 s28, $0x1;
	s9 =	sadd.s32 s10, s9  }
0xc: {  	s5 =	sadd.s32 s29, s2;
	s13 =	ssub.s32 s28, s31;
	s12 =	sadd.s32 s8, s6  }
0xd: {  	s9 =	sshrl.u32 s9, $0x3;
	s7 =	sadd.s32 s7, s8;
	s11 =	smax.u32 s13, $0x1  }
0xe: {  	s13 =	sadd.s32 $0x8000, s5;
	s14 =	sadd.s32 $0xC000, s5;
	s15 =	sadd.s32 $0x10000, s5  }
0xf: {  	s30 =	sadd.s32 s9, s6;
	s6 =	sadd.s32 $0x14000, s5;
	s8 =	sadd.s32 $0x1A00, s12  }
0x10: {  	v0 =	vimm.f32 $0.0e+00;
	s9 =	sadd.s32 $0x6A00, s12;
	s12 =	sadd.s32 $0x4000, s5;
	s10 =	sadd.s32 $0xBA00, s30  }
.LBB2_1:
0x11: {  	s26 =	simm.s32 $0x0;
	s28 =	simm.s32 $0x200  }
.LBB2_2:
0x12: {  	p0 =	sne.s32 s28, $0xFE00;
	[tilespmem:s26+$0x2870] =	vst v0  }
0x13: {  	[tilespmem:s26+$0x2800] =	vst v0  }
0x14: {  	[tilespmem:s26+$0x2810] =	vst v0  }
.Ltmp0:
0x15: {  	[tilespmem:s26+$0x2820] =	vst v0;
	(pc) =	sbr.rel @p0 .LBB2_2-.Ltmp0, $4  }
0x16: {  	[tilespmem:s26+$0x2830] =	vst v0  }
0x17: {  	[tilespmem:s26+$0x2840] =	vst v0  }
0x18: {  	[tilespmem:s26+$0x2850] =	vst v0  }
0x19: {  	[tilespmem:s26+$0x2860] =	vst v0;
	s26 =	sshra.s32 s28, $0x2;
	s28 =	sadd.s32 $0x200, s28  }
0x1a: {  	[tilespmem:s26+$0x2870] =	vst v0  }
0x1b: {  	[tilespmem:s26+$0x2800] =	vst v0  }
0x1c: {  	[tilespmem:s26+$0x2810] =	vst v0  }
0x1d: {  	[tilespmem:s26+$0x2820] =	vst v0  }
0x1e: {  	[tilespmem:s26+$0x2830] =	vst v0  }
0x1f: {  	[tilespmem:s26+$0x2840] =	vst v0  }
0x20: {  	[tilespmem:s26+$0x2850] =	vst v0  }
0x21: {  	[tilespmem:s26+$0x2860] =	vst v0  }
0x22: {  	[spmem:s5] =	stream.linear.scatter [tilespmem:s16], [sflag:$0x3], $0x4000, $0x38;
	[tilespmem:$0x1F000] =	vst v63  }
0x23: {  	_ =	swait.ge [sflag:s17], $0x4000  }
0x24: {  	[sflag:s17] =	ssyncset.done $0x0  }
0x25: {  	[sflag:s17] =	ssyncadd.s32 $0xFFFFC000  }
0x26: {  	[spmem:s12] =	stream.linear.scatter [tilespmem:s16], [sflag:$0x3], $0x4000, $0x38;
	[tilespmem:$0x1F000] =	vst v63  }
0x27: {  	_ =	swait.ge [sflag:s17], $0x4000  }
0x28: {  	[sflag:s17] =	ssyncset.done $0x0  }
0x29: {  	[sflag:s17] =	ssyncadd.s32 $0xFFFFC000  }
0x2a: {  	[spmem:s13] =	stream.linear.scatter [tilespmem:s16], [sflag:$0x3], $0x4000, $0x38;
	[tilespmem:$0x1F000] =	vst v63  }
0x2b: {  	_ =	swait.ge [sflag:s17], $0x4000  }
0x2c: {  	[sflag:s17] =	ssyncset.done $0x0  }
0x2d: {  	[sflag:s17] =	ssyncadd.s32 $0xFFFFC000  }
0x2e: {  	[spmem:s14] =	stream.linear.scatter [tilespmem:s16], [sflag:$0x3], $0x4000, $0x38;
	[tilespmem:$0x1F000] =	vst v63  }
0x2f: {  	_ =	swait.ge [sflag:s17], $0x4000  }
0x30: {  	[sflag:s17] =	ssyncset.done $0x0  }
0x31: {  	[sflag:s17] =	ssyncadd.s32 $0xFFFFC000  }
0x32: {  	[spmem:s15] =	stream.linear.scatter [tilespmem:s16], [sflag:$0x3], $0x4000, $0x38;
	[tilespmem:$0x1F000] =	vst v63  }
0x33: {  	_ =	swait.ge [sflag:s17], $0x4000  }
0x34: {  	[sflag:s17] =	ssyncset.done $0x0  }
0x35: {  	[sflag:s17] =	ssyncadd.s32 $0xFFFFC000  }
0x36: {  	[spmem:s6] =	stream.linear.scatter [tilespmem:s16], [sflag:$0x3], $0x800, $0x38;
	[tilespmem:$0x1F000] =	vst v63  }
0x37: {  	_ =	swait.ge [sflag:s17], $0x800  }
0x38: {  	[sflag:s17] =	ssyncset.done $0x0  }
0x39: {  	s31 =	simm.s32 $0x0;
	[sflag:s17] =	ssyncadd.s32 $0xFFFFF800  }
0x3a: {  	[tilespmem:s31], [sflag:$0x3] =	stream.linear.gather [hbm4b:s7+s31], $0x1400, $0x38;
	[tilespmem:$0x1F000] =	vst v63  }
0x3b: {  	_ =	swait.ge [sflag:s17], $0x1400  }
0x3c: {  	[sflag:s17] =	ssyncset.done $0x0  }
0x3d: {  	[sflag:s17] =	ssyncadd.s32 $0xFFFFEC00  }
0x3e: {  	[tilespmem:s18], [sflag:$0x3] =	stream.linear.gather [hbm4b:s8+s31], $0x1400, $0x38;
	[tilespmem:$0x1F000] =	vst v63  }
0x3f: {  	_ =	swait.ge [sflag:s17], $0x1400  }
0x40: {  	[sflag:s17] =	ssyncset.done $0x0  }
0x41: {  	s26 =	simm.s32 $0x0;
	[sflag:s17] =	ssyncadd.s32 $0xFFFFEC00  }
0x42: {  	v7 =	vld [tilespmem:s26+$0x1400]  }
0x43: {  	v6 =	vld [tilespmem:s26+$0x1410]  }
0x44: {  	v5 =	vld [tilespmem:s26+$0x1420]  }
0x45: {  	v4 =	vld [tilespmem:s26+$0x1430]  }
0x46: {  	v3 =	vld [tilespmem:s26+$0x1440]  }
0x47: {  	v2 =	vld [tilespmem:s26+$0x1450]  }
0x48: {  	v1 =	vld [tilespmem:s26+$0x1460]  }
0x49: {  	v8 =	vld [tilespmem:s26+$0x0]  }
0x4a: {  	v13 =	vld [tilespmem:s26+$0x10]  }
0x4b: {  	v11 =	vld [tilespmem:s26+$0x20]  }
0x4c: {  	v10 =	vld [tilespmem:s26+$0x30]  }
0x4d: {  	v9 =	vld [tilespmem:s26+$0x40]  }
0x4e: {  	v12 =	vshll.u32 v8, $0x3;
	v8 =	vld [tilespmem:s26+$0x50]  }
0x4f: {  	s28 =	simm.s32 $0x200;
	v13 =	vshll.u32 v13, $0x3;
	v12 =	vadd.s32 v7, v12;
	v7 =	vld [tilespmem:s26+$0x60]  }
.LBB2_4:
0x50: {  	p0 =	sne.s32 s28, $0x4E00;
	[tilespmem:s26+$0x0] =	vst v12;
	v6 =	vadd.s32 v6, v13;
	v11 =	vshll.u32 v11, $0x3;
	v12 =	vld [tilespmem:s26+$0x70]  }
0x51: {  	s29 =	sshra.s32 s28, $0x2;
	[tilespmem:s26+$0x10] =	vst v6;
	v5 =	vadd.s32 v5, v11;
	v6 =	vshll.u32 v10, $0x3;
	v10 =	vld [tilespmem:s26+$0x1470]  }
0x52: {  	v13 =	vld [tilespmem:s29+$0x1400];
	[tilespmem:s26+$0x20] =	vst v5;
	v4 =	vadd.s32 v4, v6;
	v5 =	vshll.u32 v9, $0x3  }
0x53: {  	v6 =	vld [tilespmem:s29+$0x1410];
	[tilespmem:s26+$0x30] =	vst v4;
	v3 =	vadd.s32 v3, v5;
	v4 =	vshll.u32 v8, $0x3  }
0x54: {  	v5 =	vld [tilespmem:s29+$0x1420];
	[tilespmem:s26+$0x40] =	vst v3;
	v2 =	vadd.s32 v2, v4;
	v3 =	vshll.u32 v7, $0x3  }
0x55: {  	v4 =	vld [tilespmem:s29+$0x1430];
	[tilespmem:s26+$0x50] =	vst v2;
	v1 =	vadd.s32 v1, v3;
	v2 =	vshll.u32 v12, $0x3  }
0x56: {  	v3 =	vld [tilespmem:s29+$0x1440];
	[tilespmem:s26+$0x60] =	vst v1;
	v1 =	vadd.s32 v10, v2  }
0x57: {  	v2 =	vld [tilespmem:s29+$0x1450];
	[tilespmem:s26+$0x70] =	vst v1;
	s26 =	smov.u32 s29  }
0x58: {  	v1 =	vld [tilespmem:s26+$0x1460]  }
0x59: {  	v7 =	vld [tilespmem:s26+$0x0]  }
0x5a: {  	v14 =	vld [tilespmem:s26+$0x10]  }
.Ltmp1:
0x5b: {  	v11 =	vld [tilespmem:s26+$0x20];
	(pc) =	sbr.rel @p0 .LBB2_4-.Ltmp1, $4  }
0x5c: {  	v10 =	vld [tilespmem:s26+$0x30]  }
0x5d: {  	v9 =	vld [tilespmem:s26+$0x40]  }
0x5e: {  	v7 =	vshll.u32 v7, $0x3;
	v8 =	vld [tilespmem:s26+$0x50]  }
0x5f: {  	s28 =	sadd.s32 $0x200, s28;
	v12 =	vadd.s32 v13, v7;
	v13 =	vshll.u32 v14, $0x3;
	v7 =	vld [tilespmem:s26+$0x60]  }
0x60: {  	[tilespmem:s26+$0x0] =	vst v12;
	v6 =	vadd.s32 v6, v13;
	v59 =	vld [tilespmem:s26+$0x70];
	v11 =	vshll.u32 v11, $0x3  }
0x61: {  	v61 =	vld [tilespmem:s26+$0x1470];
	[tilespmem:s26+$0x10] =	vst v6;
	v5 =	vadd.s32 v5, v11;
	v60 =	vshll.u32 v10, $0x3  }
0x62: {  	[tilespmem:s26+$0x20] =	vst v5;
	v4 =	vadd.s32 v4, v60;
	v62 =	vshll.u32 v9, $0x3  }
0x63: {  	[tilespmem:s26+$0x30] =	vst v4;
	v3 =	vadd.s32 v3, v62;
	v63 =	vshll.u32 v8, $0x3  }
0x64: {  	[tilespmem:s26+$0x40] =	vst v3;
	v2 =	vadd.s32 v2, v63;
	v3 =	vshll.u32 v7, $0x3  }
0x65: {  	[tilespmem:s26+$0x50] =	vst v2;
	v1 =	vadd.s32 v1, v3;
	v2 =	vshll.u32 v59, $0x3  }
0x66: {  	[tilespmem:s26+$0x60] =	vst v1;
	v1 =	vadd.s32 v61, v2  }
0x67: {  	s30 =	simm.s32 $0x0;
	[tilespmem:s26+$0x70] =	vst v1  }
0x68: {  	[tilespmem:s18], [sflag:$0x3] =	stream.linear.gather [hbm4b:s9+s30], $0x1400, $0x38;
	[tilespmem:$0x1F000] =	vst v63  }
0x69: {  	_ =	swait.ge [sflag:s17], $0x1400  }
0x6a: {  	[sflag:s17] =	ssyncset.done $0x0  }
0x6b: {  	[sflag:s17] =	ssyncadd.s32 $0xFFFFEC00  }
0x6c: {  	[tilespmem:s16], [sflag:$0x1] =	stream.indirect.gather [hbm4b:s4+s19], $0x80, s30, s19, $0xb8;
	[tilespmem:$0x1F000] =	vst v63  }
0x6d: {  	s31 =	simm.s32 $0x80;
	[bflag:$0x0] =	sbarrier.arrive $0xFFFF  }
0x6e: {  	[tilespmem:s20], [sflag:$0x2] =	stream.indirect.gather [hbm4b:s4+s19], $0x80, s31, s19, $0xb8;
	[tilespmem:$0x1F000] =	vst v63  }
0x6f: {  	_ =	swait.ge [sflag:s21], $0x4000  }
0x70: {  	[sflag:s21] =	ssyncset.done $0x0  }
0x71: {  	s29 =	simm.s32 $0x1400;
	[sflag:s21] =	ssyncadd.s32 $0xFFFFC000  }
0x72: {  	[spmem:s2] =	stream.indirect.scatter.add.f32 [tilespmem:s16], [sflag:$0x3], $0x80, s29, s19, $0xb8;
	[tilespmem:$0x1F000] =	vst v63  }
0x73: {  	_ =	swait.ge [sflag:s17], $0x4000  }
0x74: {  	[sflag:s17] =	ssyncset.done $0x0  }
0x75: {  	s30 =	simm.s32 $0x100;
	[sflag:s17] =	ssyncadd.s32 $0xFFFFC000  }
0x76: {  	[tilespmem:s16], [sflag:$0x1] =	stream.indirect.gather [hbm4b:s4+s19], $0x80, s30, s19, $0xb8;
	[tilespmem:$0x1F000] =	vst v63  }
0x77: {  	_ =	swait.ge [sflag:s22], $0x4000  }
0x78: {  	[sflag:s22] =	ssyncset.done $0x0  }
0x79: {  	s31 =	simm.s32 $0x1480;
	[sflag:s22] =	ssyncadd.s32 $0xFFFFC000  }
0x7a: {  	[spmem:s2] =	stream.indirect.scatter.add.f32 [tilespmem:s20], [sflag:$0x3], $0x80, s31, s19, $0xb8;
	[tilespmem:$0x1F000] =	vst v63  }
0x7b: {  	_ =	swait.ge [sflag:s17], $0x4000  }
0x7c: {  	s28 =	simm.s32 $0x800;
	s26 =	simm.s32 $0x100;
	[sflag:s17] =	ssyncset.done $0x0  }
.LBB2_6:
0x7d: {  	s29 =	sadd.s32 $0x80, s26  }
0x7e: {  	[sflag:s17] =	ssyncadd.s32 $0xFFFFC000;
	s30 =	smov.u32 s28;
	s31 =	sadd.s32 $0x400, s28  }
0x7f: {  	[tilespmem:s20], [sflag:$0x2] =	stream.indirect.gather [hbm4b:s4+s19], $0x80, s29, s19, $0xb8;
	[tilespmem:$0x1F000] =	vst v63  }
0x80: {  	p0 =	sne.s32 s28, $0x4800;
	_ =	swait.ge [sflag:s21], $0x4000  }
0x81: {  	[sflag:s21] =	ssyncset.done $0x0  }
0x82: {  	s28 =	sadd.s32 $0x1400, s26;
	[sflag:s21] =	ssyncadd.s32 $0xFFFFC000  }
0x83: {  	[spmem:s2] =	stream.indirect.scatter.add.f32 [tilespmem:s16], [sflag:$0x3], $0x80, s28, s19, $0xb8;
	[tilespmem:$0x1F000] =	vst v63  }
0x84: {  	_ =	swait.ge [sflag:s17], $0x4000  }
0x85: {  	[sflag:s17] =	ssyncset.done $0x0  }
0x86: {  	s28 =	sadd.s32 $0x100, s26;
	[sflag:s17] =	ssyncadd.s32 $0xFFFFC000  }
0x87: {  	[tilespmem:s16], [sflag:$0x1] =	stream.indirect.gather [hbm4b:s4+s19], $0x80, s28, s19, $0xb8;
	[tilespmem:$0x1F000] =	vst v63  }
0x88: {  	_ =	swait.ge [sflag:s22], $0x4000  }
.Ltmp2:
0x89: {  	[sflag:s22] =	ssyncset.done $0x0;
	(pc) =	sbr.rel @p0 .LBB2_6-.Ltmp2, $4  }
0x8a: {  	s26 =	sadd.s32 $0x1480, s26;
	[sflag:s22] =	ssyncadd.s32 $0xFFFFC000  }
0x8b: {  	[spmem:s2] =	stream.indirect.scatter.add.f32 [tilespmem:s20], [sflag:$0x3], $0x80, s26, s19, $0xb8;
	[tilespmem:$0x1F000] =	vst v63  }
0x8c: {  	_ =	swait.ge [sflag:s17], $0x4000  }
0x8d: {  	s28 =	smov.u32 s31;
	s26 =	sshra.s32 s30, $0x2;
	[sflag:s17] =	ssyncset.done $0x0  }
0x8e: {  	s28 =	sadd.s32 $0x80, s26;
	[sflag:s17] =	ssyncadd.s32 $0xFFFFC000  }
0x8f: {  	[tilespmem:s20], [sflag:$0x2] =	stream.indirect.gather [hbm4b:s4+s19], $0x80, s28, s19, $0xb8;
	[tilespmem:$0x1F000] =	vst v63  }
0x90: {  	_ =	swait.ge [sflag:s21], $0x4000  }
0x91: {  	[sflag:s21] =	ssyncset.done $0x0  }
0x92: {  	s30 =	sadd.s32 $0x1400, s26;
	[sflag:s21] =	ssyncadd.s32 $0xFFFFC000  }
0x93: {  	[spmem:s2] =	stream.indirect.scatter.add.f32 [tilespmem:s16], [sflag:$0x3], $0x80, s30, s19, $0xb8;
	[tilespmem:$0x1F000] =	vst v63  }
0x94: {  	_ =	swait.ge [sflag:s17], $0x4000  }
0x95: {  	[sflag:s17] =	ssyncset.done $0x0  }
0x96: {  	s31 =	sadd.s32 $0x100, s26;
	[sflag:s17] =	ssyncadd.s32 $0xFFFFC000  }
0x97: {  	[tilespmem:s16], [sflag:$0x1] =	stream.indirect.gather [hbm4b:s4+s19], $0x80, s31, s19, $0xb8;
	[tilespmem:$0x1F000] =	vst v63  }
0x98: {  	_ =	swait.ge [sflag:s22], $0x4000  }
0x99: {  	[sflag:s22] =	ssyncset.done $0x0  }
0x9a: {  	s29 =	sadd.s32 $0x1480, s26;
	[sflag:s22] =	ssyncadd.s32 $0xFFFFC000  }
0x9b: {  	[spmem:s2] =	stream.indirect.scatter.add.f32 [tilespmem:s20], [sflag:$0x3], $0x80, s29, s19, $0xb8;
	[tilespmem:$0x1F000] =	vst v63  }
0x9c: {  	_ =	swait.ge [sflag:s17], $0x4000  }
0x9d: {  	[sflag:s17] =	ssyncset.done $0x0  }
0x9e: {  	[sflag:s17] =	ssyncadd.s32 $0xFFFFC000  }
0x9f: {  	[tilespmem:s20], [sflag:$0x2] =	stream.indirect.gather [hbm4b:s4+s19], $0x80, s23, s19, $0xb8;
	[tilespmem:$0x1F000] =	vst v63  }
0xa0: {  	_ =	swait.ge [sflag:s21], $0x4000  }
0xa1: {  	[sflag:s21] =	ssyncset.done $0x0  }
0xa2: {  	[sflag:s21] =	ssyncadd.s32 $0xFFFFC000  }
0xa3: {  	[spmem:s2] =	stream.indirect.scatter.add.f32 [tilespmem:s16], [sflag:$0x3], $0x80, s24, s19, $0xb8;
	[tilespmem:$0x1F000] =	vst v63  }
0xa4: {  	_ =	swait.ge [sflag:s17], $0x4000  }
0xa5: {  	[sflag:s17] =	ssyncset.done $0x0  }
0xa6: {  	[sflag:s17] =	ssyncadd.s32 $0xFFFFC000  }
0xa7: {  	_ =	swait.ge [sflag:s22], $0x4000  }
0xa8: {  	[sflag:s22] =	ssyncset.done $0x0  }
0xa9: {  	[sflag:s22] =	ssyncadd.s32 $0xFFFFC000  }
0xaa: {  	[spmem:s2] =	stream.indirect.scatter.add.f32 [tilespmem:s20], [sflag:$0x3], $0x80, s25, s19, $0xb8;
	[tilespmem:$0x1F000] =	vst v63  }
0xab: {  	_ =	swait.ge [sflag:s17], $0x4000  }
0xac: {  	s3 =	sadd.s32 $0x1, s3;
	s30 =	sshll.u32 s0, $0x6;
	[sflag:s17] =	ssyncset.done $0x0  }
0xad: {  	p0 =	sne.s32 s3, s11;
	s26 =	sor.u32 $0x1C03, s30;
	[sflag:s17] =	ssyncadd.s32 $0xFFFFC000  }
.Ltmp3:
0xae: {  	s31 =	sshrl.u32 s5, $0x3;
	[bflag:$0x0] =	sbarrier.arrive $0xFFFF;
	(pc) =	sbr.rel @p0 .LBB2_1-.Ltmp3, $4  }
0xaf: {  	[hbm:s10], [sflag:s26] =	dma.local [spmem:s31], $0x2900  }
0xb0: {  	_ =	swait.ge [sflag:s17], $0x2900  }
0xb1: {  	[sflag:s17] =	ssyncset.done $0x0  }
0xb2: {  	[sflag:s17] =	ssyncadd.s32 $0xFFFFD700  }
0xb3: {  	_ =	sfence.sel $0x180000  }
0xb4: {  	[bflag:$0x0] =	sbarrier.arrive $0xFFFF  }
0xb5: {  	p0 =	sne.s32 s0, $0x0;
	_ =	strace $0x9000004A  }
0xb6: {  	s0 =	sadd.s32 @!p0 $0x100000, s1;
	[bflag:$0x2] =	sbarrier.arrive $0xFFFF  }
0xb7: {  	[sflag:s0] =	ssyncadd.tile.s32 @!p0 $0x1;
	_ =	shalt  }
.Lfunc_end2:
_tile_overlayer_lowered:
.L_overlay_start_2:
0xb8: {  	(tag) =	ssettag $0x2  }
0xb9: {  	s0 =	rddreg [dreg:$0x0];
	s2 =	stileid.u32  }
0xba: {  	s1 =	rddreg [dreg:$0x1];
	p0 =	sne.s32 s2, $0x0  }
0xbb: {  	s3 =	rddreg [dreg:$0x2];
	[bflag:$0x3] =	sbarrier.arrive $0xFFFF;
	s2 =	simm.s32 @!p0 $0x1C03  }
0xbc: {  	[timem:s3], [sflag:s2] =	dma.local @!p0 [hbm:s0], s1  }
0xbd: {  	s0 =	simm.s32 @!p0 $0x3  }
0xbe: {  	_ =	swait.ge @!p0 [sflag:s0], s1  }
0xbf: {  	s1 =	ssub.s32 @!p0 $0x0, s1;
	[sflag:s0] =	ssyncset.done @!p0 $0x0  }
0xc0: {  	[sflag:s0] =	ssyncadd.s32 @!p0 s1  }
0xc1: {  	[bflag:$0x3] =	sbarrier.arrive $0xFFFF  }
0xc2: {  	_ =	shalt  }

// kernel: kernel.8.cloned.1.call-start
scs
__scs_entry_jumppad:
0x0: {  	(pc) =	sbr.rel $0x88, $3  }
0x1: {  	(tag) =	ssettag $0x0;
	lr =	simm.s32 $0x1  }
0x2: {  	[smem:$0x3F98] =	sst lr;
	_ =	strace $0xD0000000  }
0x3: {  	_ = 	snop  }
0x4: {  	_ = 	snop  }
0x5: {  	_ = 	snop  }
0x6: {  	_ = 	snop  }
0x7: {  	_ = 	snop  }
__scs_overlays_trampoline_lowered:
0x8: {  	[smem:$0x3FA7] =	sst s0  }
0x9: {  	[smem:$0x3FA8] =	sst s1  }
0xa: {  	[smem:$0x3FA9] =	sst s2  }
0xb: {  	[smem:$0x3FAA] =	sst s3  }
0xc: {  	[smem:$0x3FAB] =	sst s4  }
0xd: {  	[smem:$0x3FAC] =	sst s5  }
0xe: {  	[smem:$0x3FAD] =	sst s6  }
0xf: {  	[smem:$0x3FAE] =	sst s7  }
0x10: {  	[smem:$0x3FAF] =	sst s8  }
0x11: {  	[smem:$0x3FB0] =	sst s9;
	s0 =	simm.s32 @!p0 $0x0  }
0x12: {  	s1 =	sld [smem:$0x3F96];
	s0 =	simm.s32 @p0 $0x1  }
0x13: {  	[smem:$0x3FB1] =	sst s0;
	s0 =	simm.s32 @!p1 $0x0  }
0x14: {  	s2 =	sld [smem:$0x3F95];
	s0 =	simm.s32 @p1 $0x1  }
0x15: {  	[smem:$0x3FB2] =	sst s0;
	s0 =	simm.s32 @!p2 $0x0  }
0x16: {  	s3 =	sld [smem:$0x3FDB];
	s0 =	simm.s32 @p2 $0x1  }
0x17: {  	s4 =	simm.s32 $0x1BF5;
	[smem:$0x3FB4] =	sst s0  }
0x18: {  	s0 =	sld [smem:$0x3F97];
	_ =	swait.ge [sflag:s4], $0x0  }
0x19: {  	s7 =	sld [smem:$0x3F98]  }
0x1a: {  	s8 =	sadd.s32 $0xFFFFE003, lr  }
0x1b: {  	s9 =	sadd.s32 $0xFFFFFEF7, lr;
	s5 =	simm.s32 $0xFFFFFFFF;
	p2 =	slt.u32 s8, $0xFFFFF086  }
0x1c: {  	p1 =	slt.u32 s9, $0xF7A;
	s5 =	simm.s32 @!p2 $0x0  }
0x1d: {  	s5 =	simm.s32 @p1 $0x1;
	p0 =	seq.s32 s7, s2  }
0x1e: {  	s7 =	smul.u32 @!p0 $0xF7A, s2;
	p2 =	seq.s32 @!p0 s5, $0x0  }
0x1f: {  	s9 =	smul.u32 $0xF7A, s1;
	s8 =	simm.s32 @!p0 $0x1BF5;
	p2 =	por !p2, p0  }
0x20: {  	[sflag:s8] =	ssyncset.s32 @!p0 $0xFFFFF086;
	s6 =	sadd.s32 @!p0 s3, s7;
	s7 =	simm.s32 @!p0 $0x108  }
0x21: {  	s3 =	sadd.s32 s3, s9;
	s6 =	sadd.s32 @!p0 $0x88, s6;
	s7 =	simm.s32 @p2 $0x1082  }
0x22: {  	[simem:s7], [sflag:s8] =	dma.local @!p0 [hbm:s6], $0xF7A  }
0x23: {  	s9 =	sor.u32 $0xD0000000, s2;
	s6 =	simm.s32 $0x108;
	_ =	swait.ge @!p0 [sflag:s8], $0x0  }
0x24: {  	s3 =	sadd.s32 $0x88, s3;
	s6 =	simm.s32 @!p1 $0x1082;
	[sflag:s4] =	ssyncset.s32 $0xFFFFF086  }
0x25: {  	[simem:s6], [sflag:s4] =	dma.local [hbm:s3], $0xF7A  }
0x26: {  	[smem:$0x3F98] =	sst s1;
	(tag) =	ssettag s2;
	_ =	strace s9  }
0x27: {  	s1 =	sld [smem:$0x3FA8]  }
0x28: {  	s2 =	sld [smem:$0x3FA9]  }
0x29: {  	s4 =	sld [smem:$0x3FAB]  }
0x2a: {  	p0 =	seq.s32 s5, $0x0;
	s5 =	sld [smem:$0x3FAC]  }
0x2b: {  	s6 =	sld [smem:$0x3FAD]  }
0x2c: {  	s7 =	sld [smem:$0x3FAE]  }
0x2d: {  	s3 =	simm.s32 $0x108;
	s8 =	sld [smem:$0x3FAF]  }
0x2e: {  	s3 =	simm.s32 @!p0 $0x1082;
	s9 =	sld [smem:$0x3FB0]  }
0x2f: {  	lr =	sadd.s32 s0, s3;
	s0 =	sld [smem:$0x3FA7]  }
0x30: {  	s3 =	sld [smem:$0x3FAA]  }
0x31: {  	[smem:$0x3FB3] =	sst s10  }
0x32: {  	s10 =	sld [smem:$0x3FB1];
	_ =	sdelay $0x3  }
0x33: {  	p0 =	seq.s32 s10, $0x1;
	s10 =	sld [smem:$0x3FB3];
	_ =	sdelay $0x3  }
0x34: {  	[smem:$0x3FB3] =	sst s10  }
0x35: {  	s10 =	sld [smem:$0x3FB2];
	_ =	sdelay $0x3  }
0x36: {  	p1 =	seq.s32 s10, $0x1;
	s10 =	sld [smem:$0x3FB3];
	_ =	sdelay $0x3  }
0x37: {  	[smem:$0x3FB3] =	sst s10  }
0x38: {  	s10 =	sld [smem:$0x3FB4]  }
0x39: {  	_ = 	snop;
	(pc) =	sbr.ind lr, $3  }
0x3a: {  	_ = 	snop  }
0x3b: {  	_ = 	snop  }
0x3c: {  	p2 =	seq.s32 s10, $0x1;
	s10 =	sld [smem:$0x3FB3]  }
0x3d: {  	_ =	shalt  }
0x3e: {  	_ =	shalt  }
0x3f: {  	_ =	shalt  }
0x40: {  	_ =	shalt  }
0x41: {  	_ =	shalt  }
0x42: {  	_ =	shalt  }
0x43: {  	_ =	shalt  }
0x44: {  	_ =	shalt  }
0x45: {  	_ =	shalt  }
0x46: {  	_ =	shalt  }
0x47: {  	_ =	shalt  }
0x48: {  	_ =	shalt  }
0x49: {  	_ =	shalt  }
0x4a: {  	_ =	shalt  }
0x4b: {  	_ =	shalt  }
0x4c: {  	_ =	shalt  }
0x4d: {  	_ =	shalt  }
0x4e: {  	_ =	shalt  }
0x4f: {  	_ =	shalt  }
0x50: {  	_ =	shalt  }
0x51: {  	_ =	shalt  }
0x52: {  	_ =	shalt  }
0x53: {  	_ =	shalt  }
0x54: {  	_ =	shalt  }
0x55: {  	_ =	shalt  }
0x56: {  	_ =	shalt  }
0x57: {  	_ =	shalt  }
0x58: {  	_ =	shalt  }
0x59: {  	_ =	shalt  }
0x5a: {  	_ =	shalt  }
0x5b: {  	_ =	shalt  }
0x5c: {  	_ =	shalt  }
0x5d: {  	_ =	shalt  }
0x5e: {  	_ =	shalt  }
0x5f: {  	_ =	shalt  }
0x60: {  	_ =	shalt  }
0x61: {  	_ =	shalt  }
0x62: {  	_ =	shalt  }
0x63: {  	_ =	shalt  }
0x64: {  	_ =	shalt  }
0x65: {  	_ =	shalt  }
0x66: {  	_ =	shalt  }
0x67: {  	_ =	shalt  }
0x68: {  	_ =	shalt  }
0x69: {  	_ =	shalt  }
0x6a: {  	_ =	shalt  }
0x6b: {  	_ =	shalt  }
0x6c: {  	_ =	shalt  }
0x6d: {  	_ =	shalt  }
0x6e: {  	_ =	shalt  }
0x6f: {  	_ =	shalt  }
0x70: {  	_ =	shalt  }
0x71: {  	_ =	shalt  }
0x72: {  	_ =	shalt  }
0x73: {  	_ =	shalt  }
0x74: {  	_ =	shalt  }
0x75: {  	_ =	shalt  }
0x76: {  	_ =	shalt  }
0x77: {  	_ =	shalt  }
0x78: {  	_ =	shalt  }
0x79: {  	_ =	shalt  }
0x7a: {  	_ =	shalt  }
0x7b: {  	_ =	shalt  }
0x7c: {  	_ =	shalt  }
0x7d: {  	_ =	shalt  }
0x7e: {  	_ =	shalt  }
0x7f: {  	_ =	shalt  }
0x80: {  	_ =	shalt  }
0x81: {  	_ =	shalt  }
0x82: {  	_ =	shalt  }
0x83: {  	_ =	shalt  }
0x84: {  	_ =	shalt  }
0x85: {  	_ =	shalt  }
0x86: {  	_ =	shalt  }
0x87: {  	_ =	shalt  }
.Lfunc_end0:
.L_simem_size_0:
called_computation_lowered:
.L_overlay_start_0:
0x88: {  	s2 =	sld [smem:$0x3FD9]  }
0x89: {  	s3 =	sld [smem:$0x3FFE];
	_ =	sdelay $0x1  }
0x8a: {  	s1 =	srdreg.scid  }
0x8b: {  	s0 =	sand.u32 $0x1, s1  }
0x8c: {  	s17 =	sshll.u32 s0, $0xA;
	s2 =	sadd.s32 s3, s2  }
0x8d: {  	s2 =	sadd.s32 s2, s17  }
0x8e: {  	[smem:$0x3FBF] =	sst s2  }
0x8f: {  	_ = 	snop  }
0x90: {  	s2 =	sld [smem:$0x3FD0];
	(tm) =	ssettm $0x1  }
0x91: {  	s18 =	sld [smem:$0x3FFB];
	_ =	sdelay $0x3  }
0x92: {  	_ =	strace s18  }
0x93: {  	s3 =	sld [smem:$0x3FFC];
	_ =	sdelay $0x3  }
0x94: {  	_ =	strace s3  }
0x95: {  	s3 =	sld [smem:$0x3FFD];
	_ =	sdelay $0x3  }
0x96: {  	_ =	strace s3  }
0x97: {  	_ =	strace $0x8FFFFFFF  }
0x98: {  	s19 =	sld [smem:$0x3FDB];
	_ =	sdelay $0x1  }
0x99: {  	s4 =	simm.s32 $_scs_section_size  }
0x9a: {  	s5 =	simm.s32 $_size__tile_overlayer_lowered;
	s6 =	simm.s32 $_tile_overlayer_lowered  }
0x9b: {  	s22 =	simm.s32 $0x1BFF;
	s21 =	sshll.u32 s6, $0x1;
	s3 =	sadd.s32 s4, s19  }
0x9c: {  	s7 =	simm.s32 $0x0;
	s20 =	sshll.u32 s5, $0x1;
	s5 =	sadd.s32 s21, s3  }
0x9d: {  	[timem:s7], [sflag:s22] =	dma.local [hbm:s5], s20  }
0x9e: {  	_ =	swait.ge [sflag:s22], s20  }
0x9f: {  	s4 =	ssub.s32 $0x0, s20;
	[sflag:s22] =	ssyncset.done $0x0  }
0xa0: {  	[sflag:s22] =	ssyncadd.s32 s4;
	_ =	sdelay $0x1  }
0xa1: {  	s23 =	simm.s32 $0x1B8B  }
0xa2: {  	_ =	swait.ge [sflag:s23], $0x1  }
0xa3: {  	[sflag:s23] =	ssyncset.done $0x0  }
0xa4: {  	s25 =	simm.s32 $0x1B8E;
	s24 =	sld [smem:$0x3FFE];
	[sflag:s23] =	ssyncadd.s32 $0xFFFFFFFF  }
0xa5: {  	s26 =	simm.s32 $execute0_lowered;
	[smem:$0x3FD2] =	sst s25  }
0xa6: {  	s5 =	sshll.u32 s26, $0x1;
	_ =	strace $0x80000046;
	[dreg:$0x1] =	wrdreg $0xFFFFFFFF  }
0xa7: {  	s28 =	simm.s32 $_size_execute0_lowered;
	s3 =	sadd.s32 s3, s5;
	[dreg:$0x0] =	wrdreg $0x0  }
0xa8: {  	s5 =	sshll.u32 s28, $0x1;
	[dreg:$0x2] =	wrdreg s3  }
0xa9: {  	[dreg:$0x3] =	wrdreg s5  }
0xaa: {  	[dreg:$0x4] =	wrdreg $0xC0  }
0xab: {  	_ =	task [dreg:s7], $0x5FFFF  }
0xac: {  	[dreg:$0x1] =	wrdreg $0xFFFFFFFF  }
0xad: {  	[dreg:$0x0] =	wrdreg $0x60  }
0xae: {  	[dreg:$0x2] =	wrdreg s2  }
0xaf: {  	[dreg:$0x3] =	wrdreg s24  }
0xb0: {  	[dreg:$0x4] =	wrdreg $0xA8000  }
0xb1: {  	[dreg:$0x5] =	wrdreg $0x9  }
0xb2: {  	_ =	task.clear_ibuf [dreg:s7], $0x6FFFF;
	_ =	strace $0x90000046  }
0xb3: {  	s29 =	simm.s32 $0x9;
	_ =	strace $0x80000048  }
0xb4: {  	_ =	swait.ge [sflag:s29], $0x1  }
0xb5: {  	[sflag:s29] =	ssyncadd.s32 $0xFFFFFFFF  }
0xb6: {  	_ =	strace $0x90000048  }
0xb7: {  	_ =	sfence  }
0xb8: {  	s30 =	sld [smem:$0x0];
	_ =	sdelay $0x2  }
0xb9: {  	s31 =	sshll.u32 s1, $0xD;
	s1 =	sshrl.u32 s1, $0x2  }
0xba: {  	s3 =	sand.u32 $0x4000, s31;
	s1 =	sadd.s32 s1, s30  }
0xbb: {  	s0 =	sor.u32 s3, s0;
	s1 =	sshll.u32 s1, $0x11  }
0xbc: {  	s0 =	sor.u32 s1, s0  }
0xbd: {  	s0 =	sadd.s32 $0x8F2B, s0  }
0xbe: {  	[sflag:s0] =	ssyncadd.remote.s32 $0x1  }
0xbf: {  	_ =	sfence.sel $0xFFFF  }
0xc0: {  	[dreg:$0x0] =	wrdreg $0xFFFFFFFF;
	(pc) =	sbr.abs _section_cstart, $3  }
0xc1: {  	[dreg:$0x1] =	wrdreg $0xFFFFFFFF  }
0xc2: {  	_ =	task.clear_ibuf [dreg:s7], $0x2FFFF;
	_ =	strace $0x9FFFFFFF  }
0xc3: {  	(tm) =	ssettm $0x7FFFFFFF  }
tec
execute0_lowered:
.L_overlay_start_1:
0x0: {  	(tag) =	ssettag $0x1  }
0x1: {  	s1 =	srdreg.scid;
	s7 =	rddreg [dreg:$0x0]  }
0x2: {  	s0 =	stileid.u32;
	s6 =	rddreg [dreg:$0x1]  }
0x3: {  	s2 =	rddreg [dreg:$0x2];
	s3 =	simm.s32 $0x0;
	s16 =	simm.s32 $0x2800  }
0x4: {  	s17 =	simm.s32 $0x3;
	s18 =	simm.s32 $0x1400;
	s19 =	simm.s32 $0x80  }
0x5: {  	s20 =	simm.s32 $0x6800;
	s21 =	simm.s32 $0x1;
	s22 =	simm.s32 $0x2  }
0x6: {  	s23 =	simm.s32 $0x1380;
	s24 =	simm.s32 $0x2700;
	s25 =	simm.s32 $0x2780  }
0x7: {  	s5 =	sand.u32 $0x1, s1;
	s26 =	sshll.u32 s0, $0x1;
	s10 =	smul.u32 $0x14800, s0  }
0x8: {  	[smem:$0x7FF] =	sst s3;
	s11 =	smul.u32 $0x52000, s0;
	s4 =	sadd.s32 $0x13A200, s6  }
0x9: {  	s1 =	sor.u32 s5, s26;
	s9 =	smul.u32 $0x148000, s5;
	s28 =	ssub.s32 $0x2, s5  }
0xa: {  	s8 =	smul.u32 $0x280, s1;
	s1 =	rddreg [dreg:$0x3];
	_ =	strace $0x80000047  }
0xb: {  	s29 =	sshrl.u32 s11, $0x2;
	s31 =	sshrl.u32 s28, $0x1;
	s9 =	sadd.s32 s10, s9  }
0xc: {  	s5 =	sadd.s32 s29, s2;
	s13 =	ssub.s32 s28, s31;
	s12 =	sadd.s32 s8, s6  }
0xd: {  	s9 =	sshrl.u32 s9, $0x3;
	s7 =	sadd.s32 s7, s8;
	s11 =	smax.u32 s13, $0x1  }
0xe: {  	s13 =	sadd.s32 $0x8000, s5;
	s14 =	sadd.s32 $0xC000, s5;
	s15 =	sadd.s32 $0x10000, s5  }
0xf: {  	s30 =	sadd.s32 s9, s6;
	s6 =	sadd.s32 $0x14000, s5;
	s8 =	sadd.s32 $0x1A00, s12  }
0x10: {  	v0 =	vimm.f32 $0.0e+00;
	s9 =	sadd.s32 $0x6A00, s12;
	s12 =	sadd.s32 $0x4000, s5;
	s10 =	sadd.s32 $0xBA00, s30  }
.LBB2_1:
0x11: {  	s26 =	simm.s32 $0x0;
	s28 =	simm.s32 $0x200  }
.LBB2_2:
0x12: {  	p0 =	sne.s32 s28, $0xFE00;
	[tilespmem:s26+$0x2870] =	vst v0  }
0x13: {  	[tilespmem:s26+$0x2800] =	vst v0  }
0x14: {  	[tilespmem:s26+$0x2810] =	vst v0  }
.Ltmp0:
0x15: {  	[tilespmem:s26+$0x2820] =	vst v0;
	(pc) =	sbr.rel @p0 .LBB2_2-.Ltmp0, $4  }
0x16: {  	[tilespmem:s26+$0x2830] =	vst v0  }
0x17: {  	[tilespmem:s26+$0x2840] =	vst v0  }
0x18: {  	[tilespmem:s26+$0x2850] =	vst v0  }
0x19: {  	[tilespmem:s26+$0x2860] =	vst v0;
	s26 =	sshra.s32 s28, $0x2;
	s28 =	sadd.s32 $0x200, s28  }
0x1a: {  	[tilespmem:s26+$0x2870] =	vst v0  }
0x1b: {  	[tilespmem:s26+$0x2800] =	vst v0  }
0x1c: {  	[tilespmem:s26+$0x2810] =	vst v0  }
0x1d: {  	[tilespmem:s26+$0x2820] =	vst v0  }
0x1e: {  	[tilespmem:s26+$0x2830] =	vst v0  }
0x1f: {  	[tilespmem:s26+$0x2840] =	vst v0  }
0x20: {  	[tilespmem:s26+$0x2850] =	vst v0  }
0x21: {  	[tilespmem:s26+$0x2860] =	vst v0  }
0x22: {  	[spmem:s5] =	stream.linear.scatter [tilespmem:s16], [sflag:$0x3], $0x4000, $0x38;
	[tilespmem:$0x1F000] =	vst v63  }
0x23: {  	_ =	swait.ge [sflag:s17], $0x4000  }
0x24: {  	[sflag:s17] =	ssyncset.done $0x0  }
0x25: {  	[sflag:s17] =	ssyncadd.s32 $0xFFFFC000  }
0x26: {  	[spmem:s12] =	stream.linear.scatter [tilespmem:s16], [sflag:$0x3], $0x4000, $0x38;
	[tilespmem:$0x1F000] =	vst v63  }
0x27: {  	_ =	swait.ge [sflag:s17], $0x4000  }
0x28: {  	[sflag:s17] =	ssyncset.done $0x0  }
0x29: {  	[sflag:s17] =	ssyncadd.s32 $0xFFFFC000  }
0x2a: {  	[spmem:s13] =	stream.linear.scatter [tilespmem:s16], [sflag:$0x3], $0x4000, $0x38;
	[tilespmem:$0x1F000] =	vst v63  }
0x2b: {  	_ =	swait.ge [sflag:s17], $0x4000  }
0x2c: {  	[sflag:s17] =	ssyncset.done $0x0  }
0x2d: {  	[sflag:s17] =	ssyncadd.s32 $0xFFFFC000  }
0x2e: {  	[spmem:s14] =	stream.linear.scatter [tilespmem:s16], [sflag:$0x3], $0x4000, $0x38;
	[tilespmem:$0x1F000] =	vst v63  }
0x2f: {  	_ =	swait.ge [sflag:s17], $0x4000  }
0x30: {  	[sflag:s17] =	ssyncset.done $0x0  }
0x31: {  	[sflag:s17] =	ssyncadd.s32 $0xFFFFC000  }
0x32: {  	[spmem:s15] =	stream.linear.scatter [tilespmem:s16], [sflag:$0x3], $0x4000, $0x38;
	[tilespmem:$0x1F000] =	vst v63  }
0x33: {  	_ =	swait.ge [sflag:s17], $0x4000  }
0x34: {  	[sflag:s17] =	ssyncset.done $0x0  }
0x35: {  	[sflag:s17] =	ssyncadd.s32 $0xFFFFC000  }
0x36: {  	[spmem:s6] =	stream.linear.scatter [tilespmem:s16], [sflag:$0x3], $0x800, $0x38;
	[tilespmem:$0x1F000] =	vst v63  }
0x37: {  	_ =	swait.ge [sflag:s17], $0x800  }
0x38: {  	[sflag:s17] =	ssyncset.done $0x0  }
0x39: {  	s31 =	simm.s32 $0x0;
	[sflag:s17] =	ssyncadd.s32 $0xFFFFF800  }
0x3a: {  	[tilespmem:s31], [sflag:$0x3] =	stream.linear.gather [hbm4b:s7+s31], $0x1400, $0x38;
	[tilespmem:$0x1F000] =	vst v63  }
0x3b: {  	_ =	swait.ge [sflag:s17], $0x1400  }
0x3c: {  	[sflag:s17] =	ssyncset.done $0x0  }
0x3d: {  	[sflag:s17] =	ssyncadd.s32 $0xFFFFEC00  }
0x3e: {  	[tilespmem:s18], [sflag:$0x3] =	stream.linear.gather [hbm4b:s8+s31], $0x1400, $0x38;
	[tilespmem:$0x1F000] =	vst v63  }
0x3f: {  	_ =	swait.ge [sflag:s17], $0x1400  }
0x40: {  	[sflag:s17] =	ssyncset.done $0x0  }
0x41: {  	s26 =	simm.s32 $0x0;
	[sflag:s17] =	ssyncadd.s32 $0xFFFFEC00  }
0x42: {  	v7 =	vld [tilespmem:s26+$0x1400]  }
0x43: {  	v6 =	vld [tilespmem:s26+$0x1410]  }
0x44: {  	v5 =	vld [tilespmem:s26+$0x1420]  }
0x45: {  	v4 =	vld [tilespmem:s26+$0x1430]  }
0x46: {  	v3 =	vld [tilespmem:s26+$0x1440]  }
0x47: {  	v2 =	vld [tilespmem:s26+$0x1450]  }
0x48: {  	v1 =	vld [tilespmem:s26+$0x1460]  }
0x49: {  	v8 =	vld [tilespmem:s26+$0x0]  }
0x4a: {  	v13 =	vld [tilespmem:s26+$0x10]  }
0x4b: {  	v11 =	vld [tilespmem:s26+$0x20]  }
0x4c: {  	v10 =	vld [tilespmem:s26+$0x30]  }
0x4d: {  	v9 =	vld [tilespmem:s26+$0x40]  }
0x4e: {  	v12 =	vshll.u32 v8, $0x3;
	v8 =	vld [tilespmem:s26+$0x50]  }
0x4f: {  	s28 =	simm.s32 $0x200;
	v13 =	vshll.u32 v13, $0x3;
	v12 =	vadd.s32 v7, v12;
	v7 =	vld [tilespmem:s26+$0x60]  }
.LBB2_4:
0x50: {  	p0 =	sne.s32 s28, $0x4E00;
	[tilespmem:s26+$0x0] =	vst v12;
	v6 =	vadd.s32 v6, v13;
	v11 =	vshll.u32 v11, $0x3;
	v12 =	vld [tilespmem:s26+$0x70]  }
0x51: {  	s29 =	sshra.s32 s28, $0x2;
	[tilespmem:s26+$0x10] =	vst v6;
	v5 =	vadd.s32 v5, v11;
	v6 =	vshll.u32 v10, $0x3;
	v10 =	vld [tilespmem:s26+$0x1470]  }
0x52: {  	v13 =	vld [tilespmem:s29+$0x1400];
	[tilespmem:s26+$0x20] =	vst v5;
	v4 =	vadd.s32 v4, v6;
	v5 =	vshll.u32 v9, $0x3  }
0x53: {  	v6 =	vld [tilespmem:s29+$0x1410];
	[tilespmem:s26+$0x30] =	vst v4;
	v3 =	vadd.s32 v3, v5;
	v4 =	vshll.u32 v8, $0x3  }
0x54: {  	v5 =	vld [tilespmem:s29+$0x1420];
	[tilespmem:s26+$0x40] =	vst v3;
	v2 =	vadd.s32 v2, v4;
	v3 =	vshll.u32 v7, $0x3  }
0x55: {  	v4 =	vld [tilespmem:s29+$0x1430];
	[tilespmem:s26+$0x50] =	vst v2;
	v1 =	vadd.s32 v1, v3;
	v2 =	vshll.u32 v12, $0x3  }
0x56: {  	v3 =	vld [tilespmem:s29+$0x1440];
	[tilespmem:s26+$0x60] =	vst v1;
	v1 =	vadd.s32 v10, v2  }
0x57: {  	v2 =	vld [tilespmem:s29+$0x1450];
	[tilespmem:s26+$0x70] =	vst v1;
	s26 =	smov.u32 s29  }
0x58: {  	v1 =	vld [tilespmem:s26+$0x1460]  }
0x59: {  	v7 =	vld [tilespmem:s26+$0x0]  }
0x5a: {  	v14 =	vld [tilespmem:s26+$0x10]  }
.Ltmp1:
0x5b: {  	v11 =	vld [tilespmem:s26+$0x20];
	(pc) =	sbr.rel @p0 .LBB2_4-.Ltmp1, $4  }
0x5c: {  	v10 =	vld [tilespmem:s26+$0x30]  }
0x5d: {  	v9 =	vld [tilespmem:s26+$0x40]  }
0x5e: {  	v7 =	vshll.u32 v7, $0x3;
	v8 =	vld [tilespmem:s26+$0x50]  }
0x5f: {  	s28 =	sadd.s32 $0x200, s28;
	v12 =	vadd.s32 v13, v7;
	v13 =	vshll.u32 v14, $0x3;
	v7 =	vld [tilespmem:s26+$0x60]  }
0x60: {  	[tilespmem:s26+$0x0] =	vst v12;
	v6 =	vadd.s32 v6, v13;
	v59 =	vld [tilespmem:s26+$0x70];
	v11 =	vshll.u32 v11, $0x3  }
0x61: {  	v61 =	vld [tilespmem:s26+$0x1470];
	[tilespmem:s26+$0x10] =	vst v6;
	v5 =	vadd.s32 v5, v11;
	v60 =	vshll.u32 v10, $0x3  }
0x62: {  	[tilespmem:s26+$0x20] =	vst v5;
	v4 =	vadd.s32 v4, v60;
	v62 =	vshll.u32 v9, $0x3  }
0x63: {  	[tilespmem:s26+$0x30] =	vst v4;
	v3 =	vadd.s32 v3, v62;
	v63 =	vshll.u32 v8, $0x3  }
0x64: {  	[tilespmem:s26+$0x40] =	vst v3;
	v2 =	vadd.s32 v2, v63;
	v3 =	vshll.u32 v7, $0x3  }
0x65: {  	[tilespmem:s26+$0x50] =	vst v2;
	v1 =	vadd.s32 v1, v3;
	v2 =	vshll.u32 v59, $0x3  }
0x66: {  	[tilespmem:s26+$0x60] =	vst v1;
	v1 =	vadd.s32 v61, v2  }
0x67: {  	s30 =	simm.s32 $0x0;
	[tilespmem:s26+$0x70] =	vst v1  }
0x68: {  	[tilespmem:s18], [sflag:$0x3] =	stream.linear.gather [hbm4b:s9+s30], $0x1400, $0x38;
	[tilespmem:$0x1F000] =	vst v63  }
0x69: {  	_ =	swait.ge [sflag:s17], $0x1400  }
0x6a: {  	[sflag:s17] =	ssyncset.done $0x0  }
0x6b: {  	[sflag:s17] =	ssyncadd.s32 $0xFFFFEC00  }
0x6c: {  	[tilespmem:s16], [sflag:$0x1] =	stream.indirect.gather [hbm4b:s4+s19], $0x80, s30, s19, $0xb8;
	[tilespmem:$0x1F000] =	vst v63  }
0x6d: {  	s31 =	simm.s32 $0x80;
	[bflag:$0x0] =	sbarrier.arrive $0xFFFF  }
0x6e: {  	[tilespmem:s20], [sflag:$0x2] =	stream.indirect.gather [hbm4b:s4+s19], $0x80, s31, s19, $0xb8;
	[tilespmem:$0x1F000] =	vst v63  }
0x6f: {  	_ =	swait.ge [sflag:s21], $0x4000  }
0x70: {  	[sflag:s21] =	ssyncset.done $0x0  }
0x71: {  	s29 =	simm.s32 $0x1400;
	[sflag:s21] =	ssyncadd.s32 $0xFFFFC000  }
0x72: {  	[spmem:s2] =	stream.indirect.scatter.add.f32 [tilespmem:s16], [sflag:$0x3], $0x80, s29, s19, $0xb8;
	[tilespmem:$0x1F000] =	vst v63  }
0x73: {  	_ =	swait.ge [sflag:s17], $0x4000  }
0x74: {  	[sflag:s17] =	ssyncset.done $0x0  }
0x75: {  	s30 =	simm.s32 $0x100;
	[sflag:s17] =	ssyncadd.s32 $0xFFFFC000  }
0x76: {  	[tilespmem:s16], [sflag:$0x1] =	stream.indirect.gather [hbm4b:s4+s19], $0x80, s30, s19, $0xb8;
	[tilespmem:$0x1F000] =	vst v63  }
0x77: {  	_ =	swait.ge [sflag:s22], $0x4000  }
0x78: {  	[sflag:s22] =	ssyncset.done $0x0  }
0x79: {  	s31 =	simm.s32 $0x1480;
	[sflag:s22] =	ssyncadd.s32 $0xFFFFC000  }
0x7a: {  	[spmem:s2] =	stream.indirect.scatter.add.f32 [tilespmem:s20], [sflag:$0x3], $0x80, s31, s19, $0xb8;
	[tilespmem:$0x1F000] =	vst v63  }
0x7b: {  	_ =	swait.ge [sflag:s17], $0x4000  }
0x7c: {  	s28 =	simm.s32 $0x800;
	s26 =	simm.s32 $0x100;
	[sflag:s17] =	ssyncset.done $0x0  }
.LBB2_6:
0x7d: {  	s29 =	sadd.s32 $0x80, s26  }
0x7e: {  	[sflag:s17] =	ssyncadd.s32 $0xFFFFC000;
	s30 =	smov.u32 s28;
	s31 =	sadd.s32 $0x400, s28  }
0x7f: {  	[tilespmem:s20], [sflag:$0x2] =	stream.indirect.gather [hbm4b:s4+s19], $0x80, s29, s19, $0xb8;
	[tilespmem:$0x1F000] =	vst v63  }
0x80: {  	p0 =	sne.s32 s28, $0x4800;
	_ =	swait.ge [sflag:s21], $0x4000  }
0x81: {  	[sflag:s21] =	ssyncset.done $0x0  }
0x82: {  	s28 =	sadd.s32 $0x1400, s26;
	[sflag:s21] =	ssyncadd.s32 $0xFFFFC000  }
0x83: {  	[spmem:s2] =	stream.indirect.scatter.add.f32 [tilespmem:s16], [sflag:$0x3], $0x80, s28, s19, $0xb8;
	[tilespmem:$0x1F000] =	vst v63  }
0x84: {  	_ =	swait.ge [sflag:s17], $0x4000  }
0x85: {  	[sflag:s17] =	ssyncset.done $0x0  }
0x86: {  	s28 =	sadd.s32 $0x100, s26;
	[sflag:s17] =	ssyncadd.s32 $0xFFFFC000  }
0x87: {  	[tilespmem:s16], [sflag:$0x1] =	stream.indirect.gather [hbm4b:s4+s19], $0x80, s28, s19, $0xb8;
	[tilespmem:$0x1F000] =	vst v63  }
0x88: {  	_ =	swait.ge [sflag:s22], $0x4000  }
.Ltmp2:
0x89: {  	[sflag:s22] =	ssyncset.done $0x0;
	(pc) =	sbr.rel @p0 .LBB2_6-.Ltmp2, $4  }
0x8a: {  	s26 =	sadd.s32 $0x1480, s26;
	[sflag:s22] =	ssyncadd.s32 $0xFFFFC000  }
0x8b: {  	[spmem:s2] =	stream.indirect.scatter.add.f32 [tilespmem:s20], [sflag:$0x3], $0x80, s26, s19, $0xb8;
	[tilespmem:$0x1F000] =	vst v63  }
0x8c: {  	_ =	swait.ge [sflag:s17], $0x4000  }
0x8d: {  	s28 =	smov.u32 s31;
	s26 =	sshra.s32 s30, $0x2;
	[sflag:s17] =	ssyncset.done $0x0  }
0x8e: {  	s28 =	sadd.s32 $0x80, s26;
	[sflag:s17] =	ssyncadd.s32 $0xFFFFC000  }
0x8f: {  	[tilespmem:s20], [sflag:$0x2] =	stream.indirect.gather [hbm4b:s4+s19], $0x80, s28, s19, $0xb8;
	[tilespmem:$0x1F000] =	vst v63  }
0x90: {  	_ =	swait.ge [sflag:s21], $0x4000  }
0x91: {  	[sflag:s21] =	ssyncset.done $0x0  }
0x92: {  	s30 =	sadd.s32 $0x1400, s26;
	[sflag:s21] =	ssyncadd.s32 $0xFFFFC000  }
0x93: {  	[spmem:s2] =	stream.indirect.scatter.add.f32 [tilespmem:s16], [sflag:$0x3], $0x80, s30, s19, $0xb8;
	[tilespmem:$0x1F000] =	vst v63  }
0x94: {  	_ =	swait.ge [sflag:s17], $0x4000  }
0x95: {  	[sflag:s17] =	ssyncset.done $0x0  }
0x96: {  	s31 =	sadd.s32 $0x100, s26;
	[sflag:s17] =	ssyncadd.s32 $0xFFFFC000  }
0x97: {  	[tilespmem:s16], [sflag:$0x1] =	stream.indirect.gather [hbm4b:s4+s19], $0x80, s31, s19, $0xb8;
	[tilespmem:$0x1F000] =	vst v63  }
0x98: {  	_ =	swait.ge [sflag:s22], $0x4000  }
0x99: {  	[sflag:s22] =	ssyncset.done $0x0  }
0x9a: {  	s29 =	sadd.s32 $0x1480, s26;
	[sflag:s22] =	ssyncadd.s32 $0xFFFFC000  }
0x9b: {  	[spmem:s2] =	stream.indirect.scatter.add.f32 [tilespmem:s20], [sflag:$0x3], $0x80, s29, s19, $0xb8;
	[tilespmem:$0x1F000] =	vst v63  }
0x9c: {  	_ =	swait.ge [sflag:s17], $0x4000  }
0x9d: {  	[sflag:s17] =	ssyncset.done $0x0  }
0x9e: {  	[sflag:s17] =	ssyncadd.s32 $0xFFFFC000  }
0x9f: {  	[tilespmem:s20], [sflag:$0x2] =	stream.indirect.gather [hbm4b:s4+s19], $0x80, s23, s19, $0xb8;
	[tilespmem:$0x1F000] =	vst v63  }
0xa0: {  	_ =	swait.ge [sflag:s21], $0x4000  }
0xa1: {  	[sflag:s21] =	ssyncset.done $0x0  }
0xa2: {  	[sflag:s21] =	ssyncadd.s32 $0xFFFFC000  }
0xa3: {  	[spmem:s2] =	stream.indirect.scatter.add.f32 [tilespmem:s16], [sflag:$0x3], $0x80, s24, s19, $0xb8;
	[tilespmem:$0x1F000] =	vst v63  }
0xa4: {  	_ =	swait.ge [sflag:s17], $0x4000  }
0xa5: {  	[sflag:s17] =	ssyncset.done $0x0  }
0xa6: {  	[sflag:s17] =	ssyncadd.s32 $0xFFFFC000  }
0xa7: {  	_ =	swait.ge [sflag:s22], $0x4000  }
0xa8: {  	[sflag:s22] =	ssyncset.done $0x0  }
0xa9: {  	[sflag:s22] =	ssyncadd.s32 $0xFFFFC000  }
0xaa: {  	[spmem:s2] =	stream.indirect.scatter.add.f32 [tilespmem:s20], [sflag:$0x3], $0x80, s25, s19, $0xb8;
	[tilespmem:$0x1F000] =	vst v63  }
0xab: {  	_ =	swait.ge [sflag:s17], $0x4000  }
0xac: {  	s3 =	sadd.s32 $0x1, s3;
	s30 =	sshll.u32 s0, $0x6;
	[sflag:s17] =	ssyncset.done $0x0  }
0xad: {  	p0 =	sne.s32 s3, s11;
	s26 =	sor.u32 $0x1C03, s30;
	[sflag:s17] =	ssyncadd.s32 $0xFFFFC000  }
.Ltmp3:
0xae: {  	s31 =	sshrl.u32 s5, $0x3;
	[bflag:$0x0] =	sbarrier.arrive $0xFFFF;
	(pc) =	sbr.rel @p0 .LBB2_1-.Ltmp3, $4  }
0xaf: {  	[hbm:s10], [sflag:s26] =	dma.local [spmem:s31], $0x2900  }
0xb0: {  	_ =	swait.ge [sflag:s17], $0x2900  }
0xb1: {  	[sflag:s17] =	ssyncset.done $0x0  }
0xb2: {  	[sflag:s17] =	ssyncadd.s32 $0xFFFFD700  }
0xb3: {  	_ =	sfence.sel $0x180000  }
0xb4: {  	[bflag:$0x0] =	sbarrier.arrive $0xFFFF  }
0xb5: {  	p0 =	sne.s32 s0, $0x0;
	_ =	strace $0x90000047  }
0xb6: {  	s0 =	sadd.s32 @!p0 $0x100000, s1;
	[bflag:$0x2] =	sbarrier.arrive $0xFFFF  }
0xb7: {  	[sflag:s0] =	ssyncadd.tile.s32 @!p0 $0x1;
	_ =	shalt  }
.Lfunc_end2:
_tile_overlayer_lowered:
.L_overlay_start_2:
0xb8: {  	(tag) =	ssettag $0x2  }
0xb9: {  	s0 =	rddreg [dreg:$0x0];
	s2 =	stileid.u32  }
0xba: {  	s1 =	rddreg [dreg:$0x1];
	p0 =	sne.s32 s2, $0x0  }
0xbb: {  	s3 =	rddreg [dreg:$0x2];
	[bflag:$0x3] =	sbarrier.arrive $0xFFFF;
	s2 =	simm.s32 @!p0 $0x1C03  }
0xbc: {  	[timem:s3], [sflag:s2] =	dma.local @!p0 [hbm:s0], s1  }
0xbd: {  	s0 =	simm.s32 @!p0 $0x3  }
0xbe: {  	_ =	swait.ge @!p0 [sflag:s0], s1  }
0xbf: {  	s1 =	ssub.s32 @!p0 $0x0, s1;
	[sflag:s0] =	ssyncset.done @!p0 $0x0  }
0xc0: {  	[sflag:s0] =	ssyncadd.s32 @!p0 s1  }
0xc1: {  	[bflag:$0x3] =	sbarrier.arrive $0xFFFF  }
0xc2: {  	_ =	shalt  }

</sc_bundles>
